<compile_context>
chip_gen: v7x
topology: tpu7x:2x2x1
jax: 0.10.2.dev20260603
libtpu: 0.0.44.dev20260713+nightly
codegen_flags: <defaults>
</compile_context>

<pallas_src>
import functools

import jax
import jax.numpy as jnp
from jax import lax
from jax.experimental import pallas as pl
from jax.experimental.pallas import tpu as pltpu
from jax.experimental.pallas import tpu_sc as plsc

N_NODES = 10000
N_EDGES = 320000
D = 128

NC = 2
NS = 16
NW = NC * NS
CHUNK = 128
NROWS = N_EDGES // CHUNK
KB = 8
NBIG = 24
EPIW = 3
REMROWS = 4
REME = REMROWS * CHUNK
ROWS_PER_TILE = 640
TBL = NS * ROWS_PER_TILE
NDEG = 10240
L = 16
NBUF = 2


def _sc_aggregate(x, ei3, srcr, dstr):
    mesh = plsc.VectorSubcoreMesh(core_axis_name="c", subcore_axis_name="s")

    @functools.partial(
        pl.kernel,
        mesh=mesh,
        compiler_params=pltpu.CompilerParams(needs_layout_passes=False),
        out_type=[
            jax.ShapeDtypeStruct((NC * TBL, D), jnp.float32),
            jax.ShapeDtypeStruct((NW, NDEG), jnp.float32),
        ],
        scratch_types=[
            pltpu.VMEM((2, KB, CHUNK), jnp.int32),
            pltpu.VMEM((2, KB, CHUNK), jnp.int32),
            pltpu.VMEM((CHUNK,), jnp.int32),
            pltpu.VMEM((CHUNK,), jnp.int32),
            pltpu.VMEM((1, CHUNK), jnp.int32),
            pltpu.VMEM((NBUF, CHUNK, D), jnp.float32),
            pltpu.VMEM((NDEG,), jnp.float32),
            pltpu.SemaphoreType.DMA,
            pltpu.SemaphoreType.DMA,
            pltpu.VMEM_SHARED((TBL, D), jnp.float32),
        ],
    )
    def agg_kernel(x_hbm, ei_hbm, srcr_hbm, dstr_hbm,
                   agg_out, deg_out,
                   src_v, dst_v, srce_v, dste_v, drow_v, rows_v, deg_v,
                   gsem, isem, agg_sh):
        c = lax.axis_index("c")
        s = lax.axis_index("s")
        wid = c * NS + s
        row0 = s * ROWS_PER_TILE
        small = lax.rem(wid, 4) == 3
        big = 1 - small.astype(jnp.int32)
        nsmall = wid // 4
        r0 = 80 * (wid - nsmall) + 72 * nsmall
        nblk = KB + 1 + big
        ones16 = jnp.ones((L,), jnp.float32)
        zero16 = jnp.zeros((L,), jnp.float32)

        def zrow(r, carry):
            for k in range(D // L):
                rows_v[0, r, pl.ds(k * L, L)] = zero16
            return carry

        lax.fori_loop(0, CHUNK, zrow, 0)
        for q in range(ROWS_PER_TILE // CHUNK):
            pltpu.async_copy(
                rows_v.at[0],
                agg_sh.at[pl.ds(row0 + q * CHUNK, CHUNK)], isem)

        def zdeg(i, carry):
            deg_v[pl.ds(i * L, L)] = zero16
            return carry

        lax.fori_loop(0, NDEG // L, zdeg, 0)
        pltpu.sync_copy(ei_hbm.at[0, pl.ds(r0, KB)], src_v.at[0])
        pltpu.sync_copy(ei_hbm.at[1, pl.ds(r0, KB)], dst_v.at[0])
        for q in range(ROWS_PER_TILE // CHUNK):
            pltpu.make_async_copy(
                rows_v.at[0],
                agg_sh.at[pl.ds(row0 + q * CHUNK, CHUNK)], isem).wait()
        plsc.subcore_barrier()

        def blk(g, carry):
            sl = lax.rem(g, 2)
            nsl = 1 - sl

            @pl.when(g + 1 < nblk)
            def _prefetch():
                nb = r0 + (g + 1) * KB
                pltpu.async_copy(ei_hbm.at[0, pl.ds(nb, KB)],
                                 src_v.at[nsl], isem)
                pltpu.async_copy(ei_hbm.at[1, pl.ds(nb, KB)],
                                 dst_v.at[nsl], isem)

            def body(j, carry2):
                @pl.when(j >= NBUF)
                def _consume():
                    i = j - NBUF
                    b = lax.rem(i, NBUF)
                    pltpu.make_async_copy(
                        x_hbm.at[pl.ds(0, CHUNK)], rows_v.at[b], gsem).wait()
                    for k in range(CHUNK // L):
                        dvec = dst_v[sl, i, pl.ds(k * L, L)]
                        plsc.addupdate_scatter(deg_v, [dvec], ones16)
                    pltpu.sync_copy(rows_v.at[b], agg_sh.at[dst_v.at[sl, i]],
                                    add=True)

                @pl.when(j < KB)
                def _fire():
                    b = lax.rem(j, NBUF)
                    pltpu.async_copy(x_hbm.at[src_v.at[sl, j]], rows_v.at[b],
                                     gsem)

                return carry2

            lax.fori_loop(0, KB + NBUF, body, 0)

            @pl.when(g + 1 < nblk)
            def _wait_prefetch():
                pltpu.make_async_copy(ei_hbm.at[0, pl.ds(0, KB)],
                                      src_v.at[nsl], isem).wait()
                pltpu.make_async_copy(ei_hbm.at[1, pl.ds(0, KB)],
                                      dst_v.at[nsl], isem).wait()

            return carry

        lax.fori_loop(0, nblk, blk, 0)

        @pl.when(wid == EPIW)
        def _epilogue():
            def rem_chunk(q, carry):
                off = q * CHUNK
                pltpu.sync_copy(srcr_hbm.at[pl.ds(off, CHUNK)], srce_v)
                pltpu.sync_copy(dstr_hbm.at[pl.ds(off, CHUNK)], dste_v)
                pltpu.async_copy(x_hbm.at[srce_v], rows_v.at[0], gsem)
                pltpu.make_async_copy(
                    x_hbm.at[pl.ds(0, CHUNK)], rows_v.at[0], gsem).wait()
                for k in range(CHUNK // L):
                    dvec = dste_v[pl.ds(k * L, L)]
                    plsc.addupdate_scatter(deg_v, [dvec], ones16)
                    drow_v[0, pl.ds(k * L, L)] = dvec
                pltpu.sync_copy(rows_v.at[0], agg_sh.at[drow_v.at[0]],
                                add=True)
                return carry

            lax.fori_loop(0, REMROWS, rem_chunk, 0)

        plsc.subcore_barrier()
        out0 = c * TBL + row0
        pltpu.sync_copy(agg_sh.at[pl.ds(row0, ROWS_PER_TILE)],
                        agg_out.at[pl.ds(out0, ROWS_PER_TILE)])
        pltpu.sync_copy(deg_v, deg_out.at[wid])

    return agg_kernel(x, ei3, srcr, dstr)


BM = 1024


def _tc_body(p0, p1, dg, xb, w, rw, b, out):
    deg = jnp.sum(dg[...], axis=0)[:, None]
    inv = 1.0 / jnp.maximum(deg, 1.0)
    mean = (p0[...] + p1[...]) * inv
    out[...] = (jnp.dot(mean, w[...], preferred_element_type=jnp.float32)
                + jnp.dot(xb[...], rw[...], preferred_element_type=jnp.float32)
                + b[...])


def _tc_combine(agg, dg, x, w, rw, b):
    nb = TBL // BM
    return pl.pallas_call(
        _tc_body,
        grid=(pl.cdiv(N_NODES, BM),),
        in_specs=[
            pl.BlockSpec((BM, D), lambda i: (i, 0)),
            pl.BlockSpec((BM, D), lambda i: (nb + i, 0)),
            pl.BlockSpec((NW, BM), lambda i: (0, i)),
            pl.BlockSpec((BM, D), lambda i: (i, 0)),
            pl.BlockSpec((D, D), lambda i: (0, 0)),
            pl.BlockSpec((D, D), lambda i: (0, 0)),
            pl.BlockSpec((1, D), lambda i: (0, 0)),
        ],
        out_specs=pl.BlockSpec((BM, D), lambda i: (i, 0)),
        out_shape=jax.ShapeDtypeStruct((N_NODES, D), jnp.float32),
    )(agg, agg, dg, x, w, rw, b)


def kernel(x, edge_index, weight, root_weight, bias):
    ei = edge_index.astype(jnp.int32)
    ei3 = ei.reshape(2, NROWS, CHUNK)
    srcr = ei[0, N_EDGES - REME:]
    dstr = ei[1, N_EDGES - REME:]
    agg, deg = _sc_aggregate(x, ei3, srcr, dstr)
    b2 = bias.reshape(1, D).astype(jnp.float32)
    return _tc_combine(agg, deg, x, weight, root_weight, b2)

# --- scband reference (transcript-rebuilt; emitter-appended) ---
"""Pipeline reference for scband-sageconv-52458730553708 (READ-ONLY COPY).

The authoritative reference and input builder live on the scoring server;
editing this copy changes nothing except your own understanding.
"""

import jax, jax.numpy as jnp
import numpy as np

N_NODES = 10000
N_EDGES = 320000
D_IN = 128
D_OUT = 128


def setup_inputs(seed: int = 0) -> dict:
    key = jax.random.key(seed)
    k_x, k_ei, k_w, k_rw = jax.random.split(key, 4)
    x = jax.random.normal(k_x, (N_NODES, D_IN), dtype=jnp.float32)
    edge_index = jax.random.randint(k_ei, (2, N_EDGES), 0, N_NODES, dtype=jnp.int64)
    # glorot init for weight matrices, zeros for bias
    limit = np.sqrt(6.0 / (D_IN + D_OUT))
    weight = jax.random.uniform(k_w, (D_IN, D_OUT), dtype=jnp.float32, minval=-limit, maxval=limit)
    root_weight = jax.random.uniform(k_rw, (D_IN, D_OUT), dtype=jnp.float32, minval=-limit, maxval=limit)
    bias = jnp.zeros((D_OUT,), dtype=jnp.float32)
    return {"x": x, "edge_index": edge_index, "weight": weight, "root_weight": root_weight, "bias": bias}


def reference(x, edge_index, weight, root_weight, bias):
    # feat_drop=0.0 and activation=None -> identity ops
    src = edge_index[0]
    dst = edge_index[1]
    # adj.matmul(x, reduce='mean'): mean over incoming neighbors per dst node
    gathered = jnp.take(x, src, axis=0)                      # gather (SparseCore)
    agg = jax.ops.segment_sum(gathered, dst, num_segments=N_NODES)  # scatter-add
    deg = jax.ops.segment_sum(jnp.ones((src.shape[0],), dtype=x.dtype), dst, num_segments=N_NODES)
    mean_agg = agg / jnp.maximum(deg, 1.0)[:, None]
    out = mean_agg @ weight + x @ root_weight + bias
    return out

if __name__ == "__main__":
    import jax
    _d = setup_inputs()
    print(jax.jit(kernel)(*tuple(_d.values())))

</pallas_src>

<mosaic_0001>
#map = affine_map<(d0, d1) -> (0, 0)>
#map1 = affine_map<(d0, d1) -> (0, 0, 0)>
#map2 = affine_map<(d0, d1) -> (0)>
module attributes {stable_mosaic.version = 14 : i64} {
  func.func @agg_kernel(%arg0: i32, %arg1: i32, %arg2: memref<10000x128xf32, #tpu.memory_space<hbm>>, %arg3: memref<2x2500x128xi32, #tpu.memory_space<hbm>>, %arg4: memref<512xi32, #tpu.memory_space<hbm>>, %arg5: memref<512xi32, #tpu.memory_space<hbm>>, %arg6: memref<20480x128xf32, #tpu.memory_space<hbm>>, %arg7: memref<32x10240xf32, #tpu.memory_space<hbm>>, %arg8: memref<2x8x128xi32, #tpu.memory_space<vmem>>, %arg9: memref<2x8x128xi32, #tpu.memory_space<vmem>>, %arg10: memref<128xi32, #tpu.memory_space<vmem>>, %arg11: memref<128xi32, #tpu.memory_space<vmem>>, %arg12: memref<1x128xi32, #tpu.memory_space<vmem>>, %arg13: memref<2x128x128xf32, #tpu.memory_space<vmem>>, %arg14: memref<10240xf32, #tpu.memory_space<vmem>>, %arg15: memref<!tpu.dma_semaphore, #tpu.memory_space<semaphore_mem>>, %arg16: memref<!tpu.dma_semaphore, #tpu.memory_space<semaphore_mem>>, %arg17: memref<10240x128xf32, #tpu.memory_space<vmem_shared>>) attributes {dimension_semantics = [#tpu.dimension_semantics<core_parallel>, #tpu.dimension_semantics<subcore_parallel>], iteration_bounds = array<i64: 2, 16>, scalar_prefetch = 0 : i64, scratch_operands = 10 : i64, tpu.core_type = #tpu.core_type<sc_vector_subcore>, window_params = [{transform_indices = #map}, {transform_indices = #map1}, {transform_indices = #map2}, {transform_indices = #map2}, {transform_indices = #map}, {transform_indices = #map}]} {
    %mul3A = arith.constant 16 : i32
    %mul3A_0 = arith.muli %arg0, %mul3A : i32
    %add3A = arith.addi %mul3A_0, %arg1 : i32
    %mul3A_1 = arith.constant 640 : i32
    %mul3A_2 = arith.muli %arg1, %mul3A_1 : i32
    %rem3A = arith.constant 4 : i32
    %rem3A_3 = arith.remsi %add3A, %rem3A : i32
    %eq3A = arith.constant 3 : i32
    %eq3A_4 = arith.cmpi eq, %rem3A_3, %eq3A : i32
    %convert_element_type3A = arith.extui %eq3A_4 : i1 to i32
    %sub3A = arith.constant 1 : i32
    %sub3A_5 = arith.subi %sub3A, %convert_element_type3A : i32
    %jit3A = arith.constant 4 : i32
    %div3A = arith.divsi %add3A, %jit3A : i32
    %sign3A = arith.constant 0 : i32
    %sign3A_6 = arith.cmpi sgt, %add3A, %sign3A : i32
    %sign3A_7 = arith.extui %sign3A_6 : i1 to i32
    %sign3A_8 = arith.constant 0 : i32
    %sign3A_9 = arith.cmpi slt, %add3A, %sign3A_8 : i32
    %sign3A_10 = arith.extui %sign3A_9 : i1 to i32
    %sign3A_11 = arith.subi %sign3A_7, %sign3A_10 : i32
    %sign3A_12 = arith.constant 0 : i32
    %sign3A_13 = arith.cmpi sgt, %jit3A, %sign3A_12 : i32
    %sign3A_14 = arith.extui %sign3A_13 : i1 to i32
    %sign3A_15 = arith.constant 0 : i32
    %sign3A_16 = arith.cmpi slt, %jit3A, %sign3A_15 : i32
    %sign3A_17 = arith.extui %sign3A_16 : i1 to i32
    %sign3A_18 = arith.subi %sign3A_14, %sign3A_17 : i32
    %ne3A = arith.cmpi ne, %sign3A_11, %sign3A_18 : i32
    %rem3A_19 = arith.remsi %add3A, %jit3A : i32
    %ne3A_20 = arith.constant 0 : i32
    %ne3A_21 = arith.cmpi ne, %rem3A_19, %ne3A_20 : i32
    %and3A = arith.andi %ne3A, %ne3A_21 : i1
    %sub3A_22 = arith.constant 1 : i32
    %sub3A_23 = arith.subi %div3A, %sub3A_22 : i32
    %select_n3A = arith.select %and3A, %sub3A_23, %div3A : i32
    %sub3A_24 = arith.subi %add3A, %select_n3A : i32
    %mul3A_25 = arith.constant 80 : i32
    %mul3A_26 = arith.muli %mul3A_25, %sub3A_24 : i32
    %mul3A_27 = arith.constant 72 : i32
    %mul3A_28 = arith.muli %mul3A_27, %select_n3A : i32
    %add3A_29 = arith.addi %mul3A_26, %mul3A_28 : i32
    %add3A_30 = arith.constant 9 : i32
    %add3A_31 = arith.addi %add3A_30, %sub3A_5 : i32
    %broadcast_in_dim3A = arith.constant 1.000000e+00 : f32
    %broadcast_in_dim3A_32 = vector.broadcast %broadcast_in_dim3A : f32 to vector<16xf32>
    %broadcast_in_dim3A_33 = arith.constant 0.000000e+00 : f32
    %broadcast_in_dim3A_34 = vector.broadcast %broadcast_in_dim3A_33 : f32 to vector<16xf32>
    %scan3A = arith.constant 0 : i32
    %scan3A_35 = arith.constant 0 : i32
    %scan3A_36 = arith.constant 128 : i32
    %scan3A_37 = arith.addi %scan3A_35, %scan3A_36 : i32
    %scan3A_38 = arith.constant 1 : i32
    scf.for %scan3A_214 = %scan3A_35 to %scan3A_37 step %scan3A_38  : i32 {
      %swap3A = arith.constant 0 : i32
      %swap3A_215 = arith.index_cast %swap3A : i32 to index
      %swap3A_216 = arith.index_cast %scan3A_214 : i32 to index
      %swap3A_217 = arith.constant 0 : index
      %swap3A_218 = tpu.vector_load %arg13[%swap3A_215, %swap3A_216, %swap3A_217] {strides = array<i32>} : memref<2x128x128xf32, #tpu.memory_space<vmem>>, vector<16xf32>,
      tpu.vector_store %arg13[%swap3A_215, %swap3A_216, %swap3A_217], %broadcast_in_dim3A_34 {strides = array<i32>} : memref<2x128x128xf32, #tpu.memory_space<vmem>>, vector<16xf32>,
      %swap3A_219 = arith.constant 0 : i32
      %swap3A_220 = arith.index_cast %swap3A_219 : i32 to index
      %swap3A_221 = arith.index_cast %scan3A_214 : i32 to index
      %swap3A_222 = arith.constant 16 : index
      %swap3A_223 = tpu.vector_load %arg13[%swap3A_220, %swap3A_221, %swap3A_222] {strides = array<i32>} : memref<2x128x128xf32, #tpu.memory_space<vmem>>, vector<16xf32>,
      tpu.vector_store %arg13[%swap3A_220, %swap3A_221, %swap3A_222], %broadcast_in_dim3A_34 {strides = array<i32>} : memref<2x128x128xf32, #tpu.memory_space<vmem>>, vector<16xf32>,
      %swap3A_224 = arith.constant 0 : i32
      %swap3A_225 = arith.index_cast %swap3A_224 : i32 to index
      %swap3A_226 = arith.index_cast %scan3A_214 : i32 to index
      %swap3A_227 = arith.constant 32 : index
      %swap3A_228 = tpu.vector_load %arg13[%swap3A_225, %swap3A_226, %swap3A_227] {strides = array<i32>} : memref<2x128x128xf32, #tpu.memory_space<vmem>>, vector<16xf32>,
      tpu.vector_store %arg13[%swap3A_225, %swap3A_226, %swap3A_227], %broadcast_in_dim3A_34 {strides = array<i32>} : memref<2x128x128xf32, #tpu.memory_space<vmem>>, vector<16xf32>,
      %swap3A_229 = arith.constant 0 : i32
      %swap3A_230 = arith.index_cast %swap3A_229 : i32 to index
      %swap3A_231 = arith.index_cast %scan3A_214 : i32 to index
      %swap3A_232 = arith.constant 48 : index
      %swap3A_233 = tpu.vector_load %arg13[%swap3A_230, %swap3A_231, %swap3A_232] {strides = array<i32>} : memref<2x128x128xf32, #tpu.memory_space<vmem>>, vector<16xf32>,
      tpu.vector_store %arg13[%swap3A_230, %swap3A_231, %swap3A_232], %broadcast_in_dim3A_34 {strides = array<i32>} : memref<2x128x128xf32, #tpu.memory_space<vmem>>, vector<16xf32>,
      %swap3A_234 = arith.constant 0 : i32
      %swap3A_235 = arith.index_cast %swap3A_234 : i32 to index
      %swap3A_236 = arith.index_cast %scan3A_214 : i32 to index
      %swap3A_237 = arith.constant 64 : index
      %swap3A_238 = tpu.vector_load %arg13[%swap3A_235, %swap3A_236, %swap3A_237] {strides = array<i32>} : memref<2x128x128xf32, #tpu.memory_space<vmem>>, vector<16xf32>,
      tpu.vector_store %arg13[%swap3A_235, %swap3A_236, %swap3A_237], %broadcast_in_dim3A_34 {strides = array<i32>} : memref<2x128x128xf32, #tpu.memory_space<vmem>>, vector<16xf32>,
      %swap3A_239 = arith.constant 0 : i32
      %swap3A_240 = arith.index_cast %swap3A_239 : i32 to index
      %swap3A_241 = arith.index_cast %scan3A_214 : i32 to index
      %swap3A_242 = arith.constant 80 : index
      %swap3A_243 = tpu.vector_load %arg13[%swap3A_240, %swap3A_241, %swap3A_242] {strides = array<i32>} : memref<2x128x128xf32, #tpu.memory_space<vmem>>, vector<16xf32>,
      tpu.vector_store %arg13[%swap3A_240, %swap3A_241, %swap3A_242], %broadcast_in_dim3A_34 {strides = array<i32>} : memref<2x128x128xf32, #tpu.memory_space<vmem>>, vector<16xf32>,
      %swap3A_244 = arith.constant 0 : i32
      %swap3A_245 = arith.index_cast %swap3A_244 : i32 to index
      %swap3A_246 = arith.index_cast %scan3A_214 : i32 to index
      %swap3A_247 = arith.constant 96 : index
      %swap3A_248 = tpu.vector_load %arg13[%swap3A_245, %swap3A_246, %swap3A_247] {strides = array<i32>} : memref<2x128x128xf32, #tpu.memory_space<vmem>>, vector<16xf32>,
      tpu.vector_store %arg13[%swap3A_245, %swap3A_246, %swap3A_247], %broadcast_in_dim3A_34 {strides = array<i32>} : memref<2x128x128xf32, #tpu.memory_space<vmem>>, vector<16xf32>,
      %swap3A_249 = arith.constant 0 : i32
      %swap3A_250 = arith.index_cast %swap3A_249 : i32 to index
      %swap3A_251 = arith.index_cast %scan3A_214 : i32 to index
      %swap3A_252 = arith.constant 112 : index
      %swap3A_253 = tpu.vector_load %arg13[%swap3A_250, %swap3A_251, %swap3A_252] {strides = array<i32>} : memref<2x128x128xf32, #tpu.memory_space<vmem>>, vector<16xf32>,
      tpu.vector_store %arg13[%swap3A_250, %swap3A_251, %swap3A_252], %broadcast_in_dim3A_34 {strides = array<i32>} : memref<2x128x128xf32, #tpu.memory_space<vmem>>, vector<16xf32>,
    }
    %scan3A_39 = arith.constant 128 : i32
    %add3A_40 = arith.constant 0 : i32
    %add3A_41 = arith.addi %mul3A_2, %add3A_40 : i32
    %dma_start3A = arith.constant 0 : i32
    %dma_start3A_42 = arith.constant 0 : i32
    %dma_start3A_43 = arith.constant 0 : i32
    %dma_start3A_44 = tpu.memref_slice %arg13[%dma_start3A, %dma_start3A_42, %dma_start3A_43] : memref<2x128x128xf32, #tpu.memory_space<vmem>> -> memref<1x128x128xf32, #tpu.memory_space<vmem>>
    %dma_start3A_45 = tpu.memref_squeeze %dma_start3A_44 : memref<1x128x128xf32, #tpu.memory_space<vmem>> -> memref<128x128xf32, #tpu.memory_space<vmem>>
    %dma_start3A_46 = arith.constant 0 : i32
    %dma_start3A_47 = tpu.memref_slice %arg17[%add3A_41, %dma_start3A_46] : memref<10240x128xf32, #tpu.memory_space<vmem_shared>> -> memref<128x128xf32, #tpu.memory_space<vmem_shared>>
    %dma_start3A_48 = arith.constant 0 : i32
    %dma_start3A_49 = tpu.memref_slice %arg17[%add3A_41, %dma_start3A_48] : memref<10240x128xf32, #tpu.memory_space<vmem_shared>> -> memref<128x128xf32, #tpu.memory_space<vmem_shared>>
    %dma_start3A_50 = arith.constant 0 : i32
    %dma_start3A_51 = arith.constant 0 : i32
    %dma_start3A_52 = tpu.memref_slice %arg13[%dma_start3A, %dma_start3A_50, %dma_start3A_51] : memref<2x128x128xf32, #tpu.memory_space<vmem>> -> memref<1x128x128xf32, #tpu.memory_space<vmem>>
    %dma_start3A_53 = tpu.memref_squeeze %dma_start3A_52 : memref<1x128x128xf32, #tpu.memory_space<vmem>> -> memref<128x128xf32, #tpu.memory_space<vmem>>
    tpu.enqueue_dma source(%dma_start3A_53 : memref<128x128xf32, #tpu.memory_space<vmem>>) target(%dma_start3A_49 : memref<128x128xf32, #tpu.memory_space<vmem_shared>>) target_semaphore(%arg16 : memref<!tpu.dma_semaphore, #tpu.memory_space<semaphore_mem>>)
    %add3A_54 = arith.constant 128 : i32
    %add3A_55 = arith.addi %mul3A_2, %add3A_54 : i32
    %dma_start3A_56 = arith.constant 0 : i32
    %dma_start3A_57 = arith.constant 0 : i32
    %dma_start3A_58 = arith.constant 0 : i32
    %dma_start3A_59 = tpu.memref_slice %arg13[%dma_start3A_56, %dma_start3A_57, %dma_start3A_58] : memref<2x128x128xf32, #tpu.memory_space<vmem>> -> memref<1x128x128xf32, #tpu.memory_space<vmem>>
    %dma_start3A_60 = tpu.memref_squeeze %dma_start3A_59 : memref<1x128x128xf32, #tpu.memory_space<vmem>> -> memref<128x128xf32, #tpu.memory_space<vmem>>
    %dma_start3A_61 = arith.constant 0 : i32
    %dma_start3A_62 = tpu.memref_slice %arg17[%add3A_55, %dma_start3A_61] : memref<10240x128xf32, #tpu.memory_space<vmem_shared>> -> memref<128x128xf32, #tpu.memory_space<vmem_shared>>
    %dma_start3A_63 = arith.constant 0 : i32
    %dma_start3A_64 = tpu.memref_slice %arg17[%add3A_55, %dma_start3A_63] : memref<10240x128xf32, #tpu.memory_space<vmem_shared>> -> memref<128x128xf32, #tpu.memory_space<vmem_shared>>
    %dma_start3A_65 = arith.constant 0 : i32
    %dma_start3A_66 = arith.constant 0 : i32
    %dma_start3A_67 = tpu.memref_slice %arg13[%dma_start3A_56, %dma_start3A_65, %dma_start3A_66] : memref<2x128x128xf32, #tpu.memory_space<vmem>> -> memref<1x128x128xf32, #tpu.memory_space<vmem>>
    %dma_start3A_68 = tpu.memref_squeeze %dma_start3A_67 : memref<1x128x128xf32, #tpu.memory_space<vmem>> -> memref<128x128xf32, #tpu.memory_space<vmem>>
    tpu.enqueue_dma source(%dma_start3A_68 : memref<128x128xf32, #tpu.memory_space<vmem>>) target(%dma_start3A_64 : memref<128x128xf32, #tpu.memory_space<vmem_shared>>) target_semaphore(%arg16 : memref<!tpu.dma_semaphore, #tpu.memory_space<semaphore_mem>>)
    %add3A_69 = arith.constant 256 : i32
    %add3A_70 = arith.addi %mul3A_2, %add3A_69 : i32
    %dma_start3A_71 = arith.constant 0 : i32
    %dma_start3A_72 = arith.constant 0 : i32
    %dma_start3A_73 = arith.constant 0 : i32
    %dma_start3A_74 = tpu.memref_slice %arg13[%dma_start3A_71, %dma_start3A_72, %dma_start3A_73] : memref<2x128x128xf32, #tpu.memory_space<vmem>> -> memref<1x128x128xf32, #tpu.memory_space<vmem>>
    %dma_start3A_75 = tpu.memref_squeeze %dma_start3A_74 : memref<1x128x128xf32, #tpu.memory_space<vmem>> -> memref<128x128xf32, #tpu.memory_space<vmem>>
    %dma_start3A_76 = arith.constant 0 : i32
    %dma_start3A_77 = tpu.memref_slice %arg17[%add3A_70, %dma_start3A_76] : memref<10240x128xf32, #tpu.memory_space<vmem_shared>> -> memref<128x128xf32, #tpu.memory_space<vmem_shared>>
    %dma_start3A_78 = arith.constant 0 : i32
    %dma_start3A_79 = tpu.memref_slice %arg17[%add3A_70, %dma_start3A_78] : memref<10240x128xf32, #tpu.memory_space<vmem_shared>> -> memref<128x128xf32, #tpu.memory_space<vmem_shared>>
    %dma_start3A_80 = arith.constant 0 : i32
    %dma_start3A_81 = arith.constant 0 : i32
    %dma_start3A_82 = tpu.memref_slice %arg13[%dma_start3A_71, %dma_start3A_80, %dma_start3A_81] : memref<2x128x128xf32, #tpu.memory_space<vmem>> -> memref<1x128x128xf32, #tpu.memory_space<vmem>>
    %dma_start3A_83 = tpu.memref_squeeze %dma_start3A_82 : memref<1x128x128xf32, #tpu.memory_space<vmem>> -> memref<128x128xf32, #tpu.memory_space<vmem>>
    tpu.enqueue_dma source(%dma_start3A_83 : memref<128x128xf32, #tpu.memory_space<vmem>>) target(%dma_start3A_79 : memref<128x128xf32, #tpu.memory_space<vmem_shared>>) target_semaphore(%arg16 : memref<!tpu.dma_semaphore, #tpu.memory_space<semaphore_mem>>)
    %add3A_84 = arith.constant 384 : i32
    %add3A_85 = arith.addi %mul3A_2, %add3A_84 : i32
    %dma_start3A_86 = arith.constant 0 : i32
    %dma_start3A_87 = arith.constant 0 : i32
    %dma_start3A_88 = arith.constant 0 : i32
    %dma_start3A_89 = tpu.memref_slice %arg13[%dma_start3A_86, %dma_start3A_87, %dma_start3A_88] : memref<2x128x128xf32, #tpu.memory_space<vmem>> -> memref<1x128x128xf32, #tpu.memory_space<vmem>>
    %dma_start3A_90 = tpu.memref_squeeze %dma_start3A_89 : memref<1x128x128xf32, #tpu.memory_space<vmem>> -> memref<128x128xf32, #tpu.memory_space<vmem>>
    %dma_start3A_91 = arith.constant 0 : i32
    %dma_start3A_92 = tpu.memref_slice %arg17[%add3A_85, %dma_start3A_91] : memref<10240x128xf32, #tpu.memory_space<vmem_shared>> -> memref<128x128xf32, #tpu.memory_space<vmem_shared>>
    %dma_start3A_93 = arith.constant 0 : i32
    %dma_start3A_94 = tpu.memref_slice %arg17[%add3A_85, %dma_start3A_93] : memref<10240x128xf32, #tpu.memory_space<vmem_shared>> -> memref<128x128xf32, #tpu.memory_space<vmem_shared>>
    %dma_start3A_95 = arith.constant 0 : i32
    %dma_start3A_96 = arith.constant 0 : i32
    %dma_start3A_97 = tpu.memref_slice %arg13[%dma_start3A_86, %dma_start3A_95, %dma_start3A_96] : memref<2x128x128xf32, #tpu.memory_space<vmem>> -> memref<1x128x128xf32, #tpu.memory_space<vmem>>
    %dma_start3A_98 = tpu.memref_squeeze %dma_start3A_97 : memref<1x128x128xf32, #tpu.memory_space<vmem>> -> memref<128x128xf32, #tpu.memory_space<vmem>>
    tpu.enqueue_dma source(%dma_start3A_98 : memref<128x128xf32, #tpu.memory_space<vmem>>) target(%dma_start3A_94 : memref<128x128xf32, #tpu.memory_space<vmem_shared>>) target_semaphore(%arg16 : memref<!tpu.dma_semaphore, #tpu.memory_space<semaphore_mem>>)
    %add3A_99 = arith.constant 512 : i32
    %add3A_100 = arith.addi %mul3A_2, %add3A_99 : i32
    %dma_start3A_101 = arith.constant 0 : i32
    %dma_start3A_102 = arith.constant 0 : i32
    %dma_start3A_103 = arith.constant 0 : i32
    %dma_start3A_104 = tpu.memref_slice %arg13[%dma_start3A_101, %dma_start3A_102, %dma_start3A_103] : memref<2x128x128xf32, #tpu.memory_space<vmem>> -> memref<1x128x128xf32, #tpu.memory_space<vmem>>
    %dma_start3A_105 = tpu.memref_squeeze %dma_start3A_104 : memref<1x128x128xf32, #tpu.memory_space<vmem>> -> memref<128x128xf32, #tpu.memory_space<vmem>>
    %dma_start3A_106 = arith.constant 0 : i32
    %dma_start3A_107 = tpu.memref_slice %arg17[%add3A_100, %dma_start3A_106] : memref<10240x128xf32, #tpu.memory_space<vmem_shared>> -> memref<128x128xf32, #tpu.memory_space<vmem_shared>>
    %dma_start3A_108 = arith.constant 0 : i32
    %dma_start3A_109 = tpu.memref_slice %arg17[%add3A_100, %dma_start3A_108] : memref<10240x128xf32, #tpu.memory_space<vmem_shared>> -> memref<128x128xf32, #tpu.memory_space<vmem_shared>>
    %dma_start3A_110 = arith.constant 0 : i32
    %dma_start3A_111 = arith.constant 0 : i32
    %dma_start3A_112 = tpu.memref_slice %arg13[%dma_start3A_101, %dma_start3A_110, %dma_start3A_111] : memref<2x128x128xf32, #tpu.memory_space<vmem>> -> memref<1x128x128xf32, #tpu.memory_space<vmem>>
    %dma_start3A_113 = tpu.memref_squeeze %dma_start3A_112 : memref<1x128x128xf32, #tpu.memory_space<vmem>> -> memref<128x128xf32, #tpu.memory_space<vmem>>
    tpu.enqueue_dma source(%dma_start3A_113 : memref<128x128xf32, #tpu.memory_space<vmem>>) target(%dma_start3A_109 : memref<128x128xf32, #tpu.memory_space<vmem_shared>>) target_semaphore(%arg16 : memref<!tpu.dma_semaphore, #tpu.memory_space<semaphore_mem>>)
    %scan3A_114 = arith.constant 0 : i32
    %scan3A_115 = arith.constant 0 : i32
    %scan3A_116 = arith.constant 640 : i32
    %scan3A_117 = arith.addi %scan3A_115, %scan3A_116 : i32
    %scan3A_118 = arith.constant 1 : i32
    scf.for %scan3A_214 = %scan3A_115 to %scan3A_117 step %scan3A_118  : i32 {
      %mul3A_215 = arith.constant 16 : i32
      %mul3A_216 = arith.muli %scan3A_214, %mul3A_215 : i32
      %swap3A = arith.index_cast %mul3A_216 : i32 to index
      %swap3A_217 = tpu.vector_load %arg14[%swap3A] {strides = array<i32>} : memref<10240xf32, #tpu.memory_space<vmem>>, vector<16xf32>,
      tpu.vector_store %arg14[%swap3A], %broadcast_in_dim3A_34 {strides = array<i32>} : memref<10240xf32, #tpu.memory_space<vmem>>, vector<16xf32>,
    }
    %scan3A_119 = arith.constant 640 : i32
    %run_scoped3A = arith.constant 0 : i32
    %run_scoped3A_120 = arith.constant 0 : i32
    "tpu.region"() ({
      %run_scoped3A_214 = tpu.sem_alloc : memref<!tpu.dma_semaphore, #tpu.memory_space<semaphore_mem>>
      %dma_start3A_215 = arith.constant 0 : i32
      %dma_start3A_216 = arith.constant 0 : i32
      %dma_start3A_217 = tpu.memref_slice %arg8[%run_scoped3A_120, %dma_start3A_215, %dma_start3A_216] : memref<2x8x128xi32, #tpu.memory_space<vmem>> -> memref<1x8x128xi32, #tpu.memory_space<vmem>>
      %dma_start3A_218 = tpu.memref_squeeze %dma_start3A_217 : memref<1x8x128xi32, #tpu.memory_space<vmem>> -> memref<8x128xi32, #tpu.memory_space<vmem>>
      %dma_start3A_219 = arith.constant 0 : i32
      %dma_start3A_220 = tpu.memref_slice %arg3[%run_scoped3A, %add3A_29, %dma_start3A_219] : memref<2x2500x128xi32, #tpu.memory_space<hbm>> -> memref<1x8x128xi32, #tpu.memory_space<hbm>>
      %dma_start3A_221 = tpu.memref_squeeze %dma_start3A_220 : memref<1x8x128xi32, #tpu.memory_space<hbm>> -> memref<8x128xi32, #tpu.memory_space<hbm>>
      %dma_start3A_222 = arith.constant 0 : i32
      %dma_start3A_223 = arith.constant 0 : i32
      %dma_start3A_224 = tpu.memref_slice %arg8[%run_scoped3A_120, %dma_start3A_222, %dma_start3A_223] : memref<2x8x128xi32, #tpu.memory_space<vmem>> -> memref<1x8x128xi32, #tpu.memory_space<vmem>>
      %dma_start3A_225 = tpu.memref_squeeze %dma_start3A_224 : memref<1x8x128xi32, #tpu.memory_space<vmem>> -> memref<8x128xi32, #tpu.memory_space<vmem>>
      %dma_start3A_226 = arith.constant 0 : i32
      %dma_start3A_227 = tpu.memref_slice %arg3[%run_scoped3A, %add3A_29, %dma_start3A_226] : memref<2x2500x128xi32, #tpu.memory_space<hbm>> -> memref<1x8x128xi32, #tpu.memory_space<hbm>>
      %dma_start3A_228 = tpu.memref_squeeze %dma_start3A_227 : memref<1x8x128xi32, #tpu.memory_space<hbm>> -> memref<8x128xi32, #tpu.memory_space<hbm>>
      tpu.enqueue_dma source(%dma_start3A_228 : memref<8x128xi32, #tpu.memory_space<hbm>>) target(%dma_start3A_225 : memref<8x128xi32, #tpu.memory_space<vmem>>) target_semaphore(%run_scoped3A_214 : memref<!tpu.dma_semaphore, #tpu.memory_space<semaphore_mem>>)
      %dma_wait3A_229 = arith.constant 0 : i32
      %dma_wait3A_230 = arith.constant 0 : i32
      %dma_wait3A_231 = tpu.memref_slice %arg8[%run_scoped3A_120, %dma_wait3A_229, %dma_wait3A_230] : memref<2x8x128xi32, #tpu.memory_space<vmem>> -> memref<1x8x128xi32, #tpu.memory_space<vmem>>
      %dma_wait3A_232 = tpu.memref_squeeze %dma_wait3A_231 : memref<1x8x128xi32, #tpu.memory_space<vmem>> -> memref<8x128xi32, #tpu.memory_space<vmem>>
      %dma_wait3A_233 = arith.constant 0 : i32
      %dma_wait3A_234 = tpu.memref_slice %arg3[%run_scoped3A, %add3A_29, %dma_wait3A_233] : memref<2x2500x128xi32, #tpu.memory_space<hbm>> -> memref<1x8x128xi32, #tpu.memory_space<hbm>>
      %dma_wait3A_235 = tpu.memref_squeeze %dma_wait3A_234 : memref<1x8x128xi32, #tpu.memory_space<hbm>> -> memref<8x128xi32, #tpu.memory_space<hbm>>
      %dma_wait3A_236 = arith.constant 0 : i32
      %dma_wait3A_237 = arith.constant 0 : i32
      %dma_wait3A_238 = tpu.memref_slice %arg8[%run_scoped3A_120, %dma_wait3A_236, %dma_wait3A_237] : memref<2x8x128xi32, #tpu.memory_space<vmem>> -> memref<1x8x128xi32, #tpu.memory_space<vmem>>
      %dma_wait3A_239 = tpu.memref_squeeze %dma_wait3A_238 : memref<1x8x128xi32, #tpu.memory_space<vmem>> -> memref<8x128xi32, #tpu.memory_space<vmem>>
      %dma_wait3A_240 = arith.constant 0 : i32
      %dma_wait3A_241 = tpu.memref_slice %arg3[%run_scoped3A, %add3A_29, %dma_wait3A_240] : memref<2x2500x128xi32, #tpu.memory_space<hbm>> -> memref<1x8x128xi32, #tpu.memory_space<hbm>>
      %dma_wait3A_242 = tpu.memref_squeeze %dma_wait3A_241 : memref<1x8x128xi32, #tpu.memory_space<hbm>> -> memref<8x128xi32, #tpu.memory_space<hbm>>
      tpu.wait_dma2 semaphore(%run_scoped3A_214 : memref<!tpu.dma_semaphore, #tpu.memory_space<semaphore_mem>>) src(%dma_wait3A_242 : memref<8x128xi32, #tpu.memory_space<hbm>>) dst(%dma_wait3A_239 : memref<8x128xi32, #tpu.memory_space<vmem>>)
      tpu.yield
    }) : () -> ()
    %run_scoped3A_121 = arith.constant 1 : i32
    %run_scoped3A_122 = arith.constant 0 : i32
    "tpu.region"() ({
      %run_scoped3A_214 = tpu.sem_alloc : memref<!tpu.dma_semaphore, #tpu.memory_space<semaphore_mem>>
      %dma_start3A_215 = arith.constant 0 : i32
      %dma_start3A_216 = arith.constant 0 : i32
      %dma_start3A_217 = tpu.memref_slice %arg9[%run_scoped3A_122, %dma_start3A_215, %dma_start3A_216] : memref<2x8x128xi32, #tpu.memory_space<vmem>> -> memref<1x8x128xi32, #tpu.memory_space<vmem>>
      %dma_start3A_218 = tpu.memref_squeeze %dma_start3A_217 : memref<1x8x128xi32, #tpu.memory_space<vmem>> -> memref<8x128xi32, #tpu.memory_space<vmem>>
      %dma_start3A_219 = arith.constant 0 : i32
      %dma_start3A_220 = tpu.memref_slice %arg3[%run_scoped3A_121, %add3A_29, %dma_start3A_219] : memref<2x2500x128xi32, #tpu.memory_space<hbm>> -> memref<1x8x128xi32, #tpu.memory_space<hbm>>
      %dma_start3A_221 = tpu.memref_squeeze %dma_start3A_220 : memref<1x8x128xi32, #tpu.memory_space<hbm>> -> memref<8x128xi32, #tpu.memory_space<hbm>>
      %dma_start3A_222 = arith.constant 0 : i32
      %dma_start3A_223 = arith.constant 0 : i32
      %dma_start3A_224 = tpu.memref_slice %arg9[%run_scoped3A_122, %dma_start3A_222, %dma_start3A_223] : memref<2x8x128xi32, #tpu.memory_space<vmem>> -> memref<1x8x128xi32, #tpu.memory_space<vmem>>
      %dma_start3A_225 = tpu.memref_squeeze %dma_start3A_224 : memref<1x8x128xi32, #tpu.memory_space<vmem>> -> memref<8x128xi32, #tpu.memory_space<vmem>>
      %dma_start3A_226 = arith.constant 0 : i32
      %dma_start3A_227 = tpu.memref_slice %arg3[%run_scoped3A_121, %add3A_29, %dma_start3A_226] : memref<2x2500x128xi32, #tpu.memory_space<hbm>> -> memref<1x8x128xi32, #tpu.memory_space<hbm>>
      %dma_start3A_228 = tpu.memref_squeeze %dma_start3A_227 : memref<1x8x128xi32, #tpu.memory_space<hbm>> -> memref<8x128xi32, #tpu.memory_space<hbm>>
      tpu.enqueue_dma source(%dma_start3A_228 : memref<8x128xi32, #tpu.memory_space<hbm>>) target(%dma_start3A_225 : memref<8x128xi32, #tpu.memory_space<vmem>>) target_semaphore(%run_scoped3A_214 : memref<!tpu.dma_semaphore, #tpu.memory_space<semaphore_mem>>)
      %dma_wait3A_229 = arith.constant 0 : i32
      %dma_wait3A_230 = arith.constant 0 : i32
      %dma_wait3A_231 = tpu.memref_slice %arg9[%run_scoped3A_122, %dma_wait3A_229, %dma_wait3A_230] : memref<2x8x128xi32, #tpu.memory_space<vmem>> -> memref<1x8x128xi32, #tpu.memory_space<vmem>>
      %dma_wait3A_232 = tpu.memref_squeeze %dma_wait3A_231 : memref<1x8x128xi32, #tpu.memory_space<vmem>> -> memref<8x128xi32, #tpu.memory_space<vmem>>
      %dma_wait3A_233 = arith.constant 0 : i32
      %dma_wait3A_234 = tpu.memref_slice %arg3[%run_scoped3A_121, %add3A_29, %dma_wait3A_233] : memref<2x2500x128xi32, #tpu.memory_space<hbm>> -> memref<1x8x128xi32, #tpu.memory_space<hbm>>
      %dma_wait3A_235 = tpu.memref_squeeze %dma_wait3A_234 : memref<1x8x128xi32, #tpu.memory_space<hbm>> -> memref<8x128xi32, #tpu.memory_space<hbm>>
      %dma_wait3A_236 = arith.constant 0 : i32
      %dma_wait3A_237 = arith.constant 0 : i32
      %dma_wait3A_238 = tpu.memref_slice %arg9[%run_scoped3A_122, %dma_wait3A_236, %dma_wait3A_237] : memref<2x8x128xi32, #tpu.memory_space<vmem>> -> memref<1x8x128xi32, #tpu.memory_space<vmem>>
      %dma_wait3A_239 = tpu.memref_squeeze %dma_wait3A_238 : memref<1x8x128xi32, #tpu.memory_space<vmem>> -> memref<8x128xi32, #tpu.memory_space<vmem>>
      %dma_wait3A_240 = arith.constant 0 : i32
      %dma_wait3A_241 = tpu.memref_slice %arg3[%run_scoped3A_121, %add3A_29, %dma_wait3A_240] : memref<2x2500x128xi32, #tpu.memory_space<hbm>> -> memref<1x8x128xi32, #tpu.memory_space<hbm>>
      %dma_wait3A_242 = tpu.memref_squeeze %dma_wait3A_241 : memref<1x8x128xi32, #tpu.memory_space<hbm>> -> memref<8x128xi32, #tpu.memory_space<hbm>>
      tpu.wait_dma2 semaphore(%run_scoped3A_214 : memref<!tpu.dma_semaphore, #tpu.memory_space<semaphore_mem>>) src(%dma_wait3A_242 : memref<8x128xi32, #tpu.memory_space<hbm>>) dst(%dma_wait3A_239 : memref<8x128xi32, #tpu.memory_space<vmem>>)
      tpu.yield
    }) : () -> ()
    %add3A_123 = arith.constant 0 : i32
    %add3A_124 = arith.addi %mul3A_2, %add3A_123 : i32
    %dma_wait3A = arith.constant 0 : i32
    %dma_wait3A_125 = arith.constant 0 : i32
    %dma_wait3A_126 = arith.constant 0 : i32
    %dma_wait3A_127 = tpu.memref_slice %arg13[%dma_wait3A, %dma_wait3A_125, %dma_wait3A_126] : memref<2x128x128xf32, #tpu.memory_space<vmem>> -> memref<1x128x128xf32, #tpu.memory_space<vmem>>
    %dma_wait3A_128 = tpu.memref_squeeze %dma_wait3A_127 : memref<1x128x128xf32, #tpu.memory_space<vmem>> -> memref<128x128xf32, #tpu.memory_space<vmem>>
    %dma_wait3A_129 = arith.constant 0 : i32
    %dma_wait3A_130 = tpu.memref_slice %arg17[%add3A_124, %dma_wait3A_129] : memref<10240x128xf32, #tpu.memory_space<vmem_shared>> -> memref<128x128xf32, #tpu.memory_space<vmem_shared>>
    %dma_wait3A_131 = arith.constant 0 : i32
    %dma_wait3A_132 = tpu.memref_slice %arg17[%add3A_124, %dma_wait3A_131] : memref<10240x128xf32, #tpu.memory_space<vmem_shared>> -> memref<128x128xf32, #tpu.memory_space<vmem_shared>>
    %dma_wait3A_133 = arith.constant 0 : i32
    %dma_wait3A_134 = arith.constant 0 : i32
    %dma_wait3A_135 = tpu.memref_slice %arg13[%dma_wait3A, %dma_wait3A_133, %dma_wait3A_134] : memref<2x128x128xf32, #tpu.memory_space<vmem>> -> memref<1x128x128xf32, #tpu.memory_space<vmem>>
    %dma_wait3A_136 = tpu.memref_squeeze %dma_wait3A_135 : memref<1x128x128xf32, #tpu.memory_space<vmem>> -> memref<128x128xf32, #tpu.memory_space<vmem>>
    tpu.wait_dma2 semaphore(%arg16 : memref<!tpu.dma_semaphore, #tpu.memory_space<semaphore_mem>>) src(%dma_wait3A_136 : memref<128x128xf32, #tpu.memory_space<vmem>>) dst(%dma_wait3A_132 : memref<128x128xf32, #tpu.memory_space<vmem_shared>>)
    %add3A_137 = arith.constant 128 : i32
    %add3A_138 = arith.addi %mul3A_2, %add3A_137 : i32
    %dma_wait3A_139 = arith.constant 0 : i32
    %dma_wait3A_140 = arith.constant 0 : i32
    %dma_wait3A_141 = arith.constant 0 : i32
    %dma_wait3A_142 = tpu.memref_slice %arg13[%dma_wait3A_139, %dma_wait3A_140, %dma_wait3A_141] : memref<2x128x128xf32, #tpu.memory_space<vmem>> -> memref<1x128x128xf32, #tpu.memory_space<vmem>>
    %dma_wait3A_143 = tpu.memref_squeeze %dma_wait3A_142 : memref<1x128x128xf32, #tpu.memory_space<vmem>> -> memref<128x128xf32, #tpu.memory_space<vmem>>
    %dma_wait3A_144 = arith.constant 0 : i32
    %dma_wait3A_145 = tpu.memref_slice %arg17[%add3A_138, %dma_wait3A_144] : memref<10240x128xf32, #tpu.memory_space<vmem_shared>> -> memref<128x128xf32, #tpu.memory_space<vmem_shared>>
    %dma_wait3A_146 = arith.constant 0 : i32
    %dma_wait3A_147 = tpu.memref_slice %arg17[%add3A_138, %dma_wait3A_146] : memref<10240x128xf32, #tpu.memory_space<vmem_shared>> -> memref<128x128xf32, #tpu.memory_space<vmem_shared>>
    %dma_wait3A_148 = arith.constant 0 : i32
    %dma_wait3A_149 = arith.constant 0 : i32
    %dma_wait3A_150 = tpu.memref_slice %arg13[%dma_wait3A_139, %dma_wait3A_148, %dma_wait3A_149] : memref<2x128x128xf32, #tpu.memory_space<vmem>> -> memref<1x128x128xf32, #tpu.memory_space<vmem>>
    %dma_wait3A_151 = tpu.memref_squeeze %dma_wait3A_150 : memref<1x128x128xf32, #tpu.memory_space<vmem>> -> memref<128x128xf32, #tpu.memory_space<vmem>>
    tpu.wait_dma2 semaphore(%arg16 : memref<!tpu.dma_semaphore, #tpu.memory_space<semaphore_mem>>) src(%dma_wait3A_151 : memref<128x128xf32, #tpu.memory_space<vmem>>) dst(%dma_wait3A_147 : memref<128x128xf32, #tpu.memory_space<vmem_shared>>)
    %add3A_152 = arith.constant 256 : i32
    %add3A_153 = arith.addi %mul3A_2, %add3A_152 : i32
    %dma_wait3A_154 = arith.constant 0 : i32
    %dma_wait3A_155 = arith.constant 0 : i32
    %dma_wait3A_156 = arith.constant 0 : i32
    %dma_wait3A_157 = tpu.memref_slice %arg13[%dma_wait3A_154, %dma_wait3A_155, %dma_wait3A_156] : memref<2x128x128xf32, #tpu.memory_space<vmem>> -> memref<1x128x128xf32, #tpu.memory_space<vmem>>
    %dma_wait3A_158 = tpu.memref_squeeze %dma_wait3A_157 : memref<1x128x128xf32, #tpu.memory_space<vmem>> -> memref<128x128xf32, #tpu.memory_space<vmem>>
    %dma_wait3A_159 = arith.constant 0 : i32
    %dma_wait3A_160 = tpu.memref_slice %arg17[%add3A_153, %dma_wait3A_159] : memref<10240x128xf32, #tpu.memory_space<vmem_shared>> -> memref<128x128xf32, #tpu.memory_space<vmem_shared>>
    %dma_wait3A_161 = arith.constant 0 : i32
    %dma_wait3A_162 = tpu.memref_slice %arg17[%add3A_153, %dma_wait3A_161] : memref<10240x128xf32, #tpu.memory_space<vmem_shared>> -> memref<128x128xf32, #tpu.memory_space<vmem_shared>>
    %dma_wait3A_163 = arith.constant 0 : i32
    %dma_wait3A_164 = arith.constant 0 : i32
    %dma_wait3A_165 = tpu.memref_slice %arg13[%dma_wait3A_154, %dma_wait3A_163, %dma_wait3A_164] : memref<2x128x128xf32, #tpu.memory_space<vmem>> -> memref<1x128x128xf32, #tpu.memory_space<vmem>>
    %dma_wait3A_166 = tpu.memref_squeeze %dma_wait3A_165 : memref<1x128x128xf32, #tpu.memory_space<vmem>> -> memref<128x128xf32, #tpu.memory_space<vmem>>
    tpu.wait_dma2 semaphore(%arg16 : memref<!tpu.dma_semaphore, #tpu.memory_space<semaphore_mem>>) src(%dma_wait3A_166 : memref<128x128xf32, #tpu.memory_space<vmem>>) dst(%dma_wait3A_162 : memref<128x128xf32, #tpu.memory_space<vmem_shared>>)
    %add3A_167 = arith.constant 384 : i32
    %add3A_168 = arith.addi %mul3A_2, %add3A_167 : i32
    %dma_wait3A_169 = arith.constant 0 : i32
    %dma_wait3A_170 = arith.constant 0 : i32
    %dma_wait3A_171 = arith.constant 0 : i32
    %dma_wait3A_172 = tpu.memref_slice %arg13[%dma_wait3A_169, %dma_wait3A_170, %dma_wait3A_171] : memref<2x128x128xf32, #tpu.memory_space<vmem>> -> memref<1x128x128xf32, #tpu.memory_space<vmem>>
    %dma_wait3A_173 = tpu.memref_squeeze %dma_wait3A_172 : memref<1x128x128xf32, #tpu.memory_space<vmem>> -> memref<128x128xf32, #tpu.memory_space<vmem>>
    %dma_wait3A_174 = arith.constant 0 : i32
    %dma_wait3A_175 = tpu.memref_slice %arg17[%add3A_168, %dma_wait3A_174] : memref<10240x128xf32, #tpu.memory_space<vmem_shared>> -> memref<128x128xf32, #tpu.memory_space<vmem_shared>>
    %dma_wait3A_176 = arith.constant 0 : i32
    %dma_wait3A_177 = tpu.memref_slice %arg17[%add3A_168, %dma_wait3A_176] : memref<10240x128xf32, #tpu.memory_space<vmem_shared>> -> memref<128x128xf32, #tpu.memory_space<vmem_shared>>
    %dma_wait3A_178 = arith.constant 0 : i32
    %dma_wait3A_179 = arith.constant 0 : i32
    %dma_wait3A_180 = tpu.memref_slice %arg13[%dma_wait3A_169, %dma_wait3A_178, %dma_wait3A_179] : memref<2x128x128xf32, #tpu.memory_space<vmem>> -> memref<1x128x128xf32, #tpu.memory_space<vmem>>
    %dma_wait3A_181 = tpu.memref_squeeze %dma_wait3A_180 : memref<1x128x128xf32, #tpu.memory_space<vmem>> -> memref<128x128xf32, #tpu.memory_space<vmem>>
    tpu.wait_dma2 semaphore(%arg16 : memref<!tpu.dma_semaphore, #tpu.memory_space<semaphore_mem>>) src(%dma_wait3A_181 : memref<128x128xf32, #tpu.memory_space<vmem>>) dst(%dma_wait3A_177 : memref<128x128xf32, #tpu.memory_space<vmem_shared>>)
    %add3A_182 = arith.constant 512 : i32
    %add3A_183 = arith.addi %mul3A_2, %add3A_182 : i32
    %dma_wait3A_184 = arith.constant 0 : i32
    %dma_wait3A_185 = arith.constant 0 : i32
    %dma_wait3A_186 = arith.constant 0 : i32
    %dma_wait3A_187 = tpu.memref_slice %arg13[%dma_wait3A_184, %dma_wait3A_185, %dma_wait3A_186] : memref<2x128x128xf32, #tpu.memory_space<vmem>> -> memref<1x128x128xf32, #tpu.memory_space<vmem>>
    %dma_wait3A_188 = tpu.memref_squeeze %dma_wait3A_187 : memref<1x128x128xf32, #tpu.memory_space<vmem>> -> memref<128x128xf32, #tpu.memory_space<vmem>>
    %dma_wait3A_189 = arith.constant 0 : i32
    %dma_wait3A_190 = tpu.memref_slice %arg17[%add3A_183, %dma_wait3A_189] : memref<10240x128xf32, #tpu.memory_space<vmem_shared>> -> memref<128x128xf32, #tpu.memory_space<vmem_shared>>
    %dma_wait3A_191 = arith.constant 0 : i32
    %dma_wait3A_192 = tpu.memref_slice %arg17[%add3A_183, %dma_wait3A_191] : memref<10240x128xf32, #tpu.memory_space<vmem_shared>> -> memref<128x128xf32, #tpu.memory_space<vmem_shared>>
    %dma_wait3A_193 = arith.constant 0 : i32
    %dma_wait3A_194 = arith.constant 0 : i32
    %dma_wait3A_195 = tpu.memref_slice %arg13[%dma_wait3A_184, %dma_wait3A_193, %dma_wait3A_194] : memref<2x128x128xf32, #tpu.memory_space<vmem>> -> memref<1x128x128xf32, #tpu.memory_space<vmem>>
    %dma_wait3A_196 = tpu.memref_squeeze %dma_wait3A_195 : memref<1x128x128xf32, #tpu.memory_space<vmem>> -> memref<128x128xf32, #tpu.memory_space<vmem>>
    tpu.wait_dma2 semaphore(%arg16 : memref<!tpu.dma_semaphore, #tpu.memory_space<semaphore_mem>>) src(%dma_wait3A_196 : memref<128x128xf32, #tpu.memory_space<vmem>>) dst(%dma_wait3A_192 : memref<128x128xf32, #tpu.memory_space<vmem_shared>>)
    %barrier3A = arith.constant 0 : index
    tpu.barrier barrier_id(%barrier3A)
    %while3A = arith.constant 0 : i32
    %while3A_197 = arith.constant 0 : i32
    %while3A_198 = arith.subi %add3A_31, %while3A_197 : i32
    %while3A_199 = arith.addi %while3A_197, %while3A_198 : i32
    %while3A_200 = arith.constant 1 : i32
    %while3A_201 = arith.divsi %while3A_198, %while3A_200 : i32
    %while3A_202 = arith.muli %while3A_201, %while3A_200 : i32
    %while3A_203 = arith.addi %while3A_197, %while3A_202 : i32
    %while3A_204 = arith.constant 1 : i32
    scf.for %while3A_214 = %while3A_197 to %while3A_203 step %while3A_204  : i32 {
      %rem3A_215 = arith.constant 2 : i32
      %rem3A_216 = arith.remsi %while3A_214, %rem3A_215 : i32
      %sub3A_217 = arith.constant 1 : i32
      %sub3A_218 = arith.subi %sub3A_217, %rem3A_216 : i32
      %add3A_219 = arith.constant 1 : i32
      %add3A_220 = arith.addi %while3A_214, %add3A_219 : i32
      %lt3A = arith.cmpi slt, %add3A_220, %add3A_31 : i32
      %convert_element_type3A_221 = arith.extui %lt3A : i1 to i32
      %cond3A_222 = arith.constant 0 : i32
      %cond3A_223 = arith.cmpi ne, %convert_element_type3A_221, %cond3A_222 : i32
      scf.if %cond3A_223 {
        %add3A_236 = arith.constant 1 : i32
        %add3A_237 = arith.addi %while3A_214, %add3A_236 : i32
        %mul3A_238 = arith.constant 8 : i32
        %mul3A_239 = arith.muli %add3A_237, %mul3A_238 : i32
        %add3A_240 = arith.addi %add3A_29, %mul3A_239 : i32
        %dma_start3A_241 = arith.constant 0 : i32
        %dma_start3A_242 = arith.constant 0 : i32
        %dma_start3A_243 = arith.constant 0 : i32
        %dma_start3A_244 = tpu.memref_slice %arg8[%sub3A_218, %dma_start3A_242, %dma_start3A_243] : memref<2x8x128xi32, #tpu.memory_space<vmem>> -> memref<1x8x128xi32, #tpu.memory_space<vmem>>
        %dma_start3A_245 = tpu.memref_squeeze %dma_start3A_244 : memref<1x8x128xi32, #tpu.memory_space<vmem>> -> memref<8x128xi32, #tpu.memory_space<vmem>>
        %dma_start3A_246 = arith.constant 0 : i32
        %dma_start3A_247 = tpu.memref_slice %arg3[%dma_start3A_241, %add3A_240, %dma_start3A_246] : memref<2x2500x128xi32, #tpu.memory_space<hbm>> -> memref<1x8x128xi32, #tpu.memory_space<hbm>>
        %dma_start3A_248 = tpu.memref_squeeze %dma_start3A_247 : memref<1x8x128xi32, #tpu.memory_space<hbm>> -> memref<8x128xi32, #tpu.memory_space<hbm>>
        %dma_start3A_249 = arith.constant 0 : i32
        %dma_start3A_250 = arith.constant 0 : i32
        %dma_start3A_251 = tpu.memref_slice %arg8[%sub3A_218, %dma_start3A_249, %dma_start3A_250] : memref<2x8x128xi32, #tpu.memory_space<vmem>> -> memref<1x8x128xi32, #tpu.memory_space<vmem>>
        %dma_start3A_252 = tpu.memref_squeeze %dma_start3A_251 : memref<1x8x128xi32, #tpu.memory_space<vmem>> -> memref<8x128xi32, #tpu.memory_space<vmem>>
        %dma_start3A_253 = arith.constant 0 : i32
        %dma_start3A_254 = tpu.memref_slice %arg3[%dma_start3A_241, %add3A_240, %dma_start3A_253] : memref<2x2500x128xi32, #tpu.memory_space<hbm>> -> memref<1x8x128xi32, #tpu.memory_space<hbm>>
        %dma_start3A_255 = tpu.memref_squeeze %dma_start3A_254 : memref<1x8x128xi32, #tpu.memory_space<hbm>> -> memref<8x128xi32, #tpu.memory_space<hbm>>
        tpu.enqueue_dma source(%dma_start3A_255 : memref<8x128xi32, #tpu.memory_space<hbm>>) target(%dma_start3A_252 : memref<8x128xi32, #tpu.memory_space<vmem>>) target_semaphore(%arg16 : memref<!tpu.dma_semaphore, #tpu.memory_space<semaphore_mem>>)
        %dma_start3A_256 = arith.constant 1 : i32
        %dma_start3A_257 = arith.constant 0 : i32
        %dma_start3A_258 = arith.constant 0 : i32
        %dma_start3A_259 = tpu.memref_slice %arg9[%sub3A_218, %dma_start3A_257, %dma_start3A_258] : memref<2x8x128xi32, #tpu.memory_space<vmem>> -> memref<1x8x128xi32, #tpu.memory_space<vmem>>
        %dma_start3A_260 = tpu.memref_squeeze %dma_start3A_259 : memref<1x8x128xi32, #tpu.memory_space<vmem>> -> memref<8x128xi32, #tpu.memory_space<vmem>>
        %dma_start3A_261 = arith.constant 0 : i32
        %dma_start3A_262 = tpu.memref_slice %arg3[%dma_start3A_256, %add3A_240, %dma_start3A_261] : memref<2x2500x128xi32, #tpu.memory_space<hbm>> -> memref<1x8x128xi32, #tpu.memory_space<hbm>>
        %dma_start3A_263 = tpu.memref_squeeze %dma_start3A_262 : memref<1x8x128xi32, #tpu.memory_space<hbm>> -> memref<8x128xi32, #tpu.memory_space<hbm>>
        %dma_start3A_264 = arith.constant 0 : i32
        %dma_start3A_265 = arith.constant 0 : i32
        %dma_start3A_266 = tpu.memref_slice %arg9[%sub3A_218, %dma_start3A_264, %dma_start3A_265] : memref<2x8x128xi32, #tpu.memory_space<vmem>> -> memref<1x8x128xi32, #tpu.memory_space<vmem>>
        %dma_start3A_267 = tpu.memref_squeeze %dma_start3A_266 : memref<1x8x128xi32, #tpu.memory_space<vmem>> -> memref<8x128xi32, #tpu.memory_space<vmem>>
        %dma_start3A_268 = arith.constant 0 : i32
        %dma_start3A_269 = tpu.memref_slice %arg3[%dma_start3A_256, %add3A_240, %dma_start3A_268] : memref<2x2500x128xi32, #tpu.memory_space<hbm>> -> memref<1x8x128xi32, #tpu.memory_space<hbm>>
        %dma_start3A_270 = tpu.memref_squeeze %dma_start3A_269 : memref<1x8x128xi32, #tpu.memory_space<hbm>> -> memref<8x128xi32, #tpu.memory_space<hbm>>
        tpu.enqueue_dma source(%dma_start3A_270 : memref<8x128xi32, #tpu.memory_space<hbm>>) target(%dma_start3A_267 : memref<8x128xi32, #tpu.memory_space<vmem>>) target_semaphore(%arg16 : memref<!tpu.dma_semaphore, #tpu.memory_space<semaphore_mem>>)
      } else {
      }
      %scan3A_224 = arith.constant 0 : i32
      %scan3A_225 = arith.constant 0 : i32
      %scan3A_226 = arith.constant 10 : i32
      %scan3A_227 = arith.addi %scan3A_225, %scan3A_226 : i32
      %scan3A_228 = arith.constant 1 : i32
      scf.for %scan3A_236 = %scan3A_225 to %scan3A_227 step %scan3A_228  : i32 {
        %ge3A = arith.constant 2 : i32
        %ge3A_237 = arith.cmpi sge, %scan3A_236, %ge3A : i32
        %convert_element_type3A_238 = arith.extui %ge3A_237 : i1 to i32
        %cond3A_239 = arith.constant 0 : i32
        %cond3A_240 = arith.cmpi ne, %convert_element_type3A_238, %cond3A_239 : i32
        scf.if %cond3A_240 {
          %sub3A_246 = arith.constant 2 : i32
          %sub3A_247 = arith.subi %scan3A_236, %sub3A_246 : i32
          %rem3A_248 = arith.constant 2 : i32
          %rem3A_249 = arith.remsi %sub3A_247, %rem3A_248 : i32
          %dma_wait3A_250 = arith.constant 0 : i32
          %dma_wait3A_251 = arith.constant 0 : i32
          %dma_wait3A_252 = tpu.memref_slice %arg13[%rem3A_249, %dma_wait3A_250, %dma_wait3A_251] : memref<2x128x128xf32, #tpu.memory_space<vmem>> -> memref<1x128x128xf32, #tpu.memory_space<vmem>>
          %dma_wait3A_253 = tpu.memref_squeeze %dma_wait3A_252 : memref<1x128x128xf32, #tpu.memory_space<vmem>> -> memref<128x128xf32, #tpu.memory_space<vmem>>
          %dma_wait3A_254 = arith.constant 0 : i32
          %dma_wait3A_255 = arith.constant 0 : i32
          %dma_wait3A_256 = tpu.memref_slice %arg2[%dma_wait3A_254, %dma_wait3A_255] : memref<10000x128xf32, #tpu.memory_space<hbm>> -> memref<128x128xf32, #tpu.memory_space<hbm>>
          %dma_wait3A_257 = arith.constant 0 : i32
          %dma_wait3A_258 = arith.constant 0 : i32
          %dma_wait3A_259 = tpu.memref_slice %arg13[%rem3A_249, %dma_wait3A_257, %dma_wait3A_258] : memref<2x128x128xf32, #tpu.memory_space<vmem>> -> memref<1x128x128xf32, #tpu.memory_space<vmem>>
          %dma_wait3A_260 = tpu.memref_squeeze %dma_wait3A_259 : memref<1x128x128xf32, #tpu.memory_space<vmem>> -> memref<128x128xf32, #tpu.memory_space<vmem>>
          %dma_wait3A_261 = arith.constant 0 : i32
          %dma_wait3A_262 = arith.constant 0 : i32
          %dma_wait3A_263 = tpu.memref_slice %arg2[%dma_wait3A_261, %dma_wait3A_262] : memref<10000x128xf32, #tpu.memory_space<hbm>> -> memref<128x128xf32, #tpu.memory_space<hbm>>
          tpu.wait_dma2 semaphore(%arg15 : memref<!tpu.dma_semaphore, #tpu.memory_space<semaphore_mem>>) src(%dma_wait3A_263 : memref<128x128xf32, #tpu.memory_space<hbm>>) dst(%dma_wait3A_260 : memref<128x128xf32, #tpu.memory_space<vmem>>)
          %get3A = arith.index_cast %rem3A_216 : i32 to index
          %get3A_264 = arith.index_cast %sub3A_247 : i32 to index
          %get3A_265 = arith.constant 0 : index
          %get3A_266 = tpu.vector_load %arg9[%get3A, %get3A_264, %get3A_265] {strides = array<i32>} : memref<2x8x128xi32, #tpu.memory_space<vmem>>, vector<16xi32>,
          tpu.vector_store_idx %arg14[%get3A_266], %broadcast_in_dim3A_32 {add = true} : memref<10240xf32, #tpu.memory_space<vmem>>[vector<16xi32>], vector<16xf32>,
          %get3A_267 = arith.index_cast %rem3A_216 : i32 to index
          %get3A_268 = arith.index_cast %sub3A_247 : i32 to index
          %get3A_269 = arith.constant 16 : index
          %get3A_270 = tpu.vector_load %arg9[%get3A_267, %get3A_268, %get3A_269] {strides = array<i32>} : memref<2x8x128xi32, #tpu.memory_space<vmem>>, vector<16xi32>,
          tpu.vector_store_idx %arg14[%get3A_270], %broadcast_in_dim3A_32 {add = true} : memref<10240xf32, #tpu.memory_space<vmem>>[vector<16xi32>], vector<16xf32>,
          %get3A_271 = arith.index_cast %rem3A_216 : i32 to index
          %get3A_272 = arith.index_cast %sub3A_247 : i32 to index
          %get3A_273 = arith.constant 32 : index
          %get3A_274 = tpu.vector_load %arg9[%get3A_271, %get3A_272, %get3A_273] {strides = array<i32>} : memref<2x8x128xi32, #tpu.memory_space<vmem>>, vector<16xi32>,
          tpu.vector_store_idx %arg14[%get3A_274], %broadcast_in_dim3A_32 {add = true} : memref<10240xf32, #tpu.memory_space<vmem>>[vector<16xi32>], vector<16xf32>,
          %get3A_275 = arith.index_cast %rem3A_216 : i32 to index
          %get3A_276 = arith.index_cast %sub3A_247 : i32 to index
          %get3A_277 = arith.constant 48 : index
          %get3A_278 = tpu.vector_load %arg9[%get3A_275, %get3A_276, %get3A_277] {strides = array<i32>} : memref<2x8x128xi32, #tpu.memory_space<vmem>>, vector<16xi32>,
          tpu.vector_store_idx %arg14[%get3A_278], %broadcast_in_dim3A_32 {add = true} : memref<10240xf32, #tpu.memory_space<vmem>>[vector<16xi32>], vector<16xf32>,
          %get3A_279 = arith.index_cast %rem3A_216 : i32 to index
          %get3A_280 = arith.index_cast %sub3A_247 : i32 to index
          %get3A_281 = arith.constant 64 : index
          %get3A_282 = tpu.vector_load %arg9[%get3A_279, %get3A_280, %get3A_281] {strides = array<i32>} : memref<2x8x128xi32, #tpu.memory_space<vmem>>, vector<16xi32>,
          tpu.vector_store_idx %arg14[%get3A_282], %broadcast_in_dim3A_32 {add = true} : memref<10240xf32, #tpu.memory_space<vmem>>[vector<16xi32>], vector<16xf32>,
          %get3A_283 = arith.index_cast %rem3A_216 : i32 to index
          %get3A_284 = arith.index_cast %sub3A_247 : i32 to index
          %get3A_285 = arith.constant 80 : index
          %get3A_286 = tpu.vector_load %arg9[%get3A_283, %get3A_284, %get3A_285] {strides = array<i32>} : memref<2x8x128xi32, #tpu.memory_space<vmem>>, vector<16xi32>,
          tpu.vector_store_idx %arg14[%get3A_286], %broadcast_in_dim3A_32 {add = true} : memref<10240xf32, #tpu.memory_space<vmem>>[vector<16xi32>], vector<16xf32>,
          %get3A_287 = arith.index_cast %rem3A_216 : i32 to index
          %get3A_288 = arith.index_cast %sub3A_247 : i32 to index
          %get3A_289 = arith.constant 96 : index
          %get3A_290 = tpu.vector_load %arg9[%get3A_287, %get3A_288, %get3A_289] {strides = array<i32>} : memref<2x8x128xi32, #tpu.memory_space<vmem>>, vector<16xi32>,
          tpu.vector_store_idx %arg14[%get3A_290], %broadcast_in_dim3A_32 {add = true} : memref<10240xf32, #tpu.memory_space<vmem>>[vector<16xi32>], vector<16xf32>,
          %get3A_291 = arith.index_cast %rem3A_216 : i32 to index
          %get3A_292 = arith.index_cast %sub3A_247 : i32 to index
          %get3A_293 = arith.constant 112 : index
          %get3A_294 = tpu.vector_load %arg9[%get3A_291, %get3A_292, %get3A_293] {strides = array<i32>} : memref<2x8x128xi32, #tpu.memory_space<vmem>>, vector<16xi32>,
          tpu.vector_store_idx %arg14[%get3A_294], %broadcast_in_dim3A_32 {add = true} : memref<10240xf32, #tpu.memory_space<vmem>>[vector<16xi32>], vector<16xf32>,
          "tpu.region"() ({
            %run_scoped3A_295 = tpu.sem_alloc : memref<!tpu.dma_semaphore, #tpu.memory_space<semaphore_mem>>
            %dma_start3A_296 = arith.constant 0 : i32
            %dma_start3A_297 = arith.constant 0 : i32
            %dma_start3A_298 = tpu.memref_slice %arg13[%rem3A_249, %dma_start3A_296, %dma_start3A_297] : memref<2x128x128xf32, #tpu.memory_space<vmem>> -> memref<1x128x128xf32, #tpu.memory_space<vmem>>
            %dma_start3A_299 = tpu.memref_squeeze %dma_start3A_298 : memref<1x128x128xf32, #tpu.memory_space<vmem>> -> memref<128x128xf32, #tpu.memory_space<vmem>>
            %dma_start3A_300 = arith.constant 0 : i32
            %dma_start3A_301 = tpu.memref_slice %arg9[%rem3A_216, %sub3A_247, %dma_start3A_300] : memref<2x8x128xi32, #tpu.memory_space<vmem>> -> memref<1x1x128xi32, #tpu.memory_space<vmem>>
            %dma_start3A_302 = tpu.memref_squeeze %dma_start3A_301 : memref<1x1x128xi32, #tpu.memory_space<vmem>> -> memref<128xi32, #tpu.memory_space<vmem>>
            %dma_start3A_303 = arith.constant 0 : i32
            %dma_start3A_304 = arith.constant 0 : i32
            %dma_start3A_305 = tpu.memref_slice %arg17[%dma_start3A_303, %dma_start3A_304] : memref<10240x128xf32, #tpu.memory_space<vmem_shared>> -> memref<10240x128xf32, #tpu.memory_space<vmem_shared>>
            tpu.enqueue_indirect_dma source(%dma_start3A_299 : memref<128x128xf32, #tpu.memory_space<vmem>>) target(%dma_start3A_305 : memref<10240x128xf32, #tpu.memory_space<vmem_shared>>) offsets(%dma_start3A_302 : memref<128xi32, #tpu.memory_space<vmem>>) semaphore(%run_scoped3A_295 : memref<!tpu.dma_semaphore, #tpu.memory_space<semaphore_mem>>) {add = true}
            %dma_wait3A_306 = arith.constant 0 : i32
            %dma_wait3A_307 = arith.constant 0 : i32
            %dma_wait3A_308 = tpu.memref_slice %arg13[%rem3A_249, %dma_wait3A_306, %dma_wait3A_307] : memref<2x128x128xf32, #tpu.memory_space<vmem>> -> memref<1x128x128xf32, #tpu.memory_space<vmem>>
            %dma_wait3A_309 = tpu.memref_squeeze %dma_wait3A_308 : memref<1x128x128xf32, #tpu.memory_space<vmem>> -> memref<128x128xf32, #tpu.memory_space<vmem>>
            %dma_wait3A_310 = arith.constant 0 : i32
            %dma_wait3A_311 = tpu.memref_slice %arg9[%rem3A_216, %sub3A_247, %dma_wait3A_310] : memref<2x8x128xi32, #tpu.memory_space<vmem>> -> memref<1x1x128xi32, #tpu.memory_space<vmem>>
            %dma_wait3A_312 = tpu.memref_squeeze %dma_wait3A_311 : memref<1x1x128xi32, #tpu.memory_space<vmem>> -> memref<128xi32, #tpu.memory_space<vmem>>
            %dma_wait3A_313 = arith.constant 0 : i32
            %dma_wait3A_314 = arith.constant 0 : i32
            %dma_wait3A_315 = tpu.memref_slice %arg17[%dma_wait3A_313, %dma_wait3A_314] : memref<10240x128xf32, #tpu.memory_space<vmem_shared>> -> memref<10240x128xf32, #tpu.memory_space<vmem_shared>>
            tpu.wait_indirect_dma semaphore(%run_scoped3A_295 : memref<!tpu.dma_semaphore, #tpu.memory_space<semaphore_mem>>) src(%dma_wait3A_309 : memref<128x128xf32, #tpu.memory_space<vmem>>) dst(%dma_wait3A_315 : memref<10240x128xf32, #tpu.memory_space<vmem_shared>>)
            tpu.yield
          }) : () -> ()
        } else {
        }
        %lt3A_241 = arith.constant 8 : i32
        %lt3A_242 = arith.cmpi slt, %scan3A_236, %lt3A_241 : i32
        %convert_element_type3A_243 = arith.extui %lt3A_242 : i1 to i32
        %cond3A_244 = arith.constant 0 : i32
        %cond3A_245 = arith.cmpi ne, %convert_element_type3A_243, %cond3A_244 : i32
        scf.if %cond3A_245 {
          %rem3A_246 = arith.constant 2 : i32
          %rem3A_247 = arith.remsi %scan3A_236, %rem3A_246 : i32
          %dma_start3A_248 = arith.constant 0 : i32
          %dma_start3A_249 = arith.constant 0 : i32
          %dma_start3A_250 = tpu.memref_slice %arg13[%rem3A_247, %dma_start3A_248, %dma_start3A_249] : memref<2x128x128xf32, #tpu.memory_space<vmem>> -> memref<1x128x128xf32, #tpu.memory_space<vmem>>
          %dma_start3A_251 = tpu.memref_squeeze %dma_start3A_250 : memref<1x128x128xf32, #tpu.memory_space<vmem>> -> memref<128x128xf32, #tpu.memory_space<vmem>>
          %dma_start3A_252 = arith.constant 0 : i32
          %dma_start3A_253 = tpu.memref_slice %arg8[%rem3A_216, %scan3A_236, %dma_start3A_252] : memref<2x8x128xi32, #tpu.memory_space<vmem>> -> memref<1x1x128xi32, #tpu.memory_space<vmem>>
          %dma_start3A_254 = tpu.memref_squeeze %dma_start3A_253 : memref<1x1x128xi32, #tpu.memory_space<vmem>> -> memref<128xi32, #tpu.memory_space<vmem>>
          %dma_start3A_255 = arith.constant 0 : i32
          %dma_start3A_256 = arith.constant 0 : i32
          %dma_start3A_257 = tpu.memref_slice %arg2[%dma_start3A_255, %dma_start3A_256] : memref<10000x128xf32, #tpu.memory_space<hbm>> -> memref<10000x128xf32, #tpu.memory_space<hbm>>
          tpu.enqueue_indirect_dma source(%dma_start3A_257 : memref<10000x128xf32, #tpu.memory_space<hbm>>) target(%dma_start3A_251 : memref<128x128xf32, #tpu.memory_space<vmem>>) offsets(%dma_start3A_254 : memref<128xi32, #tpu.memory_space<vmem>>) semaphore(%arg15 : memref<!tpu.dma_semaphore, #tpu.memory_space<semaphore_mem>>)
        } else {
        }
      }
      %scan3A_229 = arith.constant 10 : i32
      %add3A_230 = arith.constant 1 : i32
      %add3A_231 = arith.addi %while3A_214, %add3A_230 : i32
      %lt3A_232 = arith.cmpi slt, %add3A_231, %add3A_31 : i32
      %convert_element_type3A_233 = arith.extui %lt3A_232 : i1 to i32
      %cond3A_234 = arith.constant 0 : i32
      %cond3A_235 = arith.cmpi ne, %convert_element_type3A_233, %cond3A_234 : i32
      scf.if %cond3A_235 {
        %dma_wait3A_236 = arith.constant 0 : i32
        %dma_wait3A_237 = arith.constant 0 : i32
        %dma_wait3A_238 = arith.constant 0 : i32
        %dma_wait3A_239 = tpu.memref_slice %arg8[%sub3A_218, %dma_wait3A_237, %dma_wait3A_238] : memref<2x8x128xi32, #tpu.memory_space<vmem>> -> memref<1x8x128xi32, #tpu.memory_space<vmem>>
        %dma_wait3A_240 = tpu.memref_squeeze %dma_wait3A_239 : memref<1x8x128xi32, #tpu.memory_space<vmem>> -> memref<8x128xi32, #tpu.memory_space<vmem>>
        %dma_wait3A_241 = arith.constant 0 : i32
        %dma_wait3A_242 = arith.constant 0 : i32
        %dma_wait3A_243 = tpu.memref_slice %arg3[%dma_wait3A_236, %dma_wait3A_241, %dma_wait3A_242] : memref<2x2500x128xi32, #tpu.memory_space<hbm>> -> memref<1x8x128xi32, #tpu.memory_space<hbm>>
        %dma_wait3A_244 = tpu.memref_squeeze %dma_wait3A_243 : memref<1x8x128xi32, #tpu.memory_space<hbm>> -> memref<8x128xi32, #tpu.memory_space<hbm>>
        %dma_wait3A_245 = arith.constant 0 : i32
        %dma_wait3A_246 = arith.constant 0 : i32
        %dma_wait3A_247 = tpu.memref_slice %arg8[%sub3A_218, %dma_wait3A_245, %dma_wait3A_246] : memref<2x8x128xi32, #tpu.memory_space<vmem>> -> memref<1x8x128xi32, #tpu.memory_space<vmem>>
        %dma_wait3A_248 = tpu.memref_squeeze %dma_wait3A_247 : memref<1x8x128xi32, #tpu.memory_space<vmem>> -> memref<8x128xi32, #tpu.memory_space<vmem>>
        %dma_wait3A_249 = arith.constant 0 : i32
        %dma_wait3A_250 = arith.constant 0 : i32
        %dma_wait3A_251 = tpu.memref_slice %arg3[%dma_wait3A_236, %dma_wait3A_249, %dma_wait3A_250] : memref<2x2500x128xi32, #tpu.memory_space<hbm>> -> memref<1x8x128xi32, #tpu.memory_space<hbm>>
        %dma_wait3A_252 = tpu.memref_squeeze %dma_wait3A_251 : memref<1x8x128xi32, #tpu.memory_space<hbm>> -> memref<8x128xi32, #tpu.memory_space<hbm>>
        tpu.wait_dma2 semaphore(%arg16 : memref<!tpu.dma_semaphore, #tpu.memory_space<semaphore_mem>>) src(%dma_wait3A_252 : memref<8x128xi32, #tpu.memory_space<hbm>>) dst(%dma_wait3A_248 : memref<8x128xi32, #tpu.memory_space<vmem>>)
        %dma_wait3A_253 = arith.constant 1 : i32
        %dma_wait3A_254 = arith.constant 0 : i32
        %dma_wait3A_255 = arith.constant 0 : i32
        %dma_wait3A_256 = tpu.memref_slice %arg9[%sub3A_218, %dma_wait3A_254, %dma_wait3A_255] : memref<2x8x128xi32, #tpu.memory_space<vmem>> -> memref<1x8x128xi32, #tpu.memory_space<vmem>>
        %dma_wait3A_257 = tpu.memref_squeeze %dma_wait3A_256 : memref<1x8x128xi32, #tpu.memory_space<vmem>> -> memref<8x128xi32, #tpu.memory_space<vmem>>
        %dma_wait3A_258 = arith.constant 0 : i32
        %dma_wait3A_259 = arith.constant 0 : i32
        %dma_wait3A_260 = tpu.memref_slice %arg3[%dma_wait3A_253, %dma_wait3A_258, %dma_wait3A_259] : memref<2x2500x128xi32, #tpu.memory_space<hbm>> -> memref<1x8x128xi32, #tpu.memory_space<hbm>>
        %dma_wait3A_261 = tpu.memref_squeeze %dma_wait3A_260 : memref<1x8x128xi32, #tpu.memory_space<hbm>> -> memref<8x128xi32, #tpu.memory_space<hbm>>
        %dma_wait3A_262 = arith.constant 0 : i32
        %dma_wait3A_263 = arith.constant 0 : i32
        %dma_wait3A_264 = tpu.memref_slice %arg9[%sub3A_218, %dma_wait3A_262, %dma_wait3A_263] : memref<2x8x128xi32, #tpu.memory_space<vmem>> -> memref<1x8x128xi32, #tpu.memory_space<vmem>>
        %dma_wait3A_265 = tpu.memref_squeeze %dma_wait3A_264 : memref<1x8x128xi32, #tpu.memory_space<vmem>> -> memref<8x128xi32, #tpu.memory_space<vmem>>
        %dma_wait3A_266 = arith.constant 0 : i32
        %dma_wait3A_267 = arith.constant 0 : i32
        %dma_wait3A_268 = tpu.memref_slice %arg3[%dma_wait3A_253, %dma_wait3A_266, %dma_wait3A_267] : memref<2x2500x128xi32, #tpu.memory_space<hbm>> -> memref<1x8x128xi32, #tpu.memory_space<hbm>>
        %dma_wait3A_269 = tpu.memref_squeeze %dma_wait3A_268 : memref<1x8x128xi32, #tpu.memory_space<hbm>> -> memref<8x128xi32, #tpu.memory_space<hbm>>
        tpu.wait_dma2 semaphore(%arg16 : memref<!tpu.dma_semaphore, #tpu.memory_space<semaphore_mem>>) src(%dma_wait3A_269 : memref<8x128xi32, #tpu.memory_space<hbm>>) dst(%dma_wait3A_265 : memref<8x128xi32, #tpu.memory_space<vmem>>)
      } else {
      }
    }
    %while3A_205 = arith.constant 1 : i32
    scf.for %while3A_214 = %while3A_203 to %while3A_199 step %while3A_205  : i32 {
      %rem3A_215 = arith.constant 2 : i32
      %rem3A_216 = arith.remsi %while3A_214, %rem3A_215 : i32
      %sub3A_217 = arith.constant 1 : i32
      %sub3A_218 = arith.subi %sub3A_217, %rem3A_216 : i32
      %add3A_219 = arith.constant 1 : i32
      %add3A_220 = arith.addi %while3A_214, %add3A_219 : i32
      %lt3A = arith.cmpi slt, %add3A_220, %add3A_31 : i32
      %convert_element_type3A_221 = arith.extui %lt3A : i1 to i32
      %cond3A_222 = arith.constant 0 : i32
      %cond3A_223 = arith.cmpi ne, %convert_element_type3A_221, %cond3A_222 : i32
      scf.if %cond3A_223 {
        %add3A_236 = arith.constant 1 : i32
        %add3A_237 = arith.addi %while3A_214, %add3A_236 : i32
        %mul3A_238 = arith.constant 8 : i32
        %mul3A_239 = arith.muli %add3A_237, %mul3A_238 : i32
        %add3A_240 = arith.addi %add3A_29, %mul3A_239 : i32
        %dma_start3A_241 = arith.constant 0 : i32
        %dma_start3A_242 = arith.constant 0 : i32
        %dma_start3A_243 = arith.constant 0 : i32
        %dma_start3A_244 = tpu.memref_slice %arg8[%sub3A_218, %dma_start3A_242, %dma_start3A_243] : memref<2x8x128xi32, #tpu.memory_space<vmem>> -> memref<1x8x128xi32, #tpu.memory_space<vmem>>
        %dma_start3A_245 = tpu.memref_squeeze %dma_start3A_244 : memref<1x8x128xi32, #tpu.memory_space<vmem>> -> memref<8x128xi32, #tpu.memory_space<vmem>>
        %dma_start3A_246 = arith.constant 0 : i32
        %dma_start3A_247 = tpu.memref_slice %arg3[%dma_start3A_241, %add3A_240, %dma_start3A_246] : memref<2x2500x128xi32, #tpu.memory_space<hbm>> -> memref<1x8x128xi32, #tpu.memory_space<hbm>>
        %dma_start3A_248 = tpu.memref_squeeze %dma_start3A_247 : memref<1x8x128xi32, #tpu.memory_space<hbm>> -> memref<8x128xi32, #tpu.memory_space<hbm>>
        %dma_start3A_249 = arith.constant 0 : i32
        %dma_start3A_250 = arith.constant 0 : i32
        %dma_start3A_251 = tpu.memref_slice %arg8[%sub3A_218, %dma_start3A_249, %dma_start3A_250] : memref<2x8x128xi32, #tpu.memory_space<vmem>> -> memref<1x8x128xi32, #tpu.memory_space<vmem>>
        %dma_start3A_252 = tpu.memref_squeeze %dma_start3A_251 : memref<1x8x128xi32, #tpu.memory_space<vmem>> -> memref<8x128xi32, #tpu.memory_space<vmem>>
        %dma_start3A_253 = arith.constant 0 : i32
        %dma_start3A_254 = tpu.memref_slice %arg3[%dma_start3A_241, %add3A_240, %dma_start3A_253] : memref<2x2500x128xi32, #tpu.memory_space<hbm>> -> memref<1x8x128xi32, #tpu.memory_space<hbm>>
        %dma_start3A_255 = tpu.memref_squeeze %dma_start3A_254 : memref<1x8x128xi32, #tpu.memory_space<hbm>> -> memref<8x128xi32, #tpu.memory_space<hbm>>
        tpu.enqueue_dma source(%dma_start3A_255 : memref<8x128xi32, #tpu.memory_space<hbm>>) target(%dma_start3A_252 : memref<8x128xi32, #tpu.memory_space<vmem>>) target_semaphore(%arg16 : memref<!tpu.dma_semaphore, #tpu.memory_space<semaphore_mem>>)
        %dma_start3A_256 = arith.constant 1 : i32
        %dma_start3A_257 = arith.constant 0 : i32
        %dma_start3A_258 = arith.constant 0 : i32
        %dma_start3A_259 = tpu.memref_slice %arg9[%sub3A_218, %dma_start3A_257, %dma_start3A_258] : memref<2x8x128xi32, #tpu.memory_space<vmem>> -> memref<1x8x128xi32, #tpu.memory_space<vmem>>
        %dma_start3A_260 = tpu.memref_squeeze %dma_start3A_259 : memref<1x8x128xi32, #tpu.memory_space<vmem>> -> memref<8x128xi32, #tpu.memory_space<vmem>>
        %dma_start3A_261 = arith.constant 0 : i32
        %dma_start3A_262 = tpu.memref_slice %arg3[%dma_start3A_256, %add3A_240, %dma_start3A_261] : memref<2x2500x128xi32, #tpu.memory_space<hbm>> -> memref<1x8x128xi32, #tpu.memory_space<hbm>>
        %dma_start3A_263 = tpu.memref_squeeze %dma_start3A_262 : memref<1x8x128xi32, #tpu.memory_space<hbm>> -> memref<8x128xi32, #tpu.memory_space<hbm>>
        %dma_start3A_264 = arith.constant 0 : i32
        %dma_start3A_265 = arith.constant 0 : i32
        %dma_start3A_266 = tpu.memref_slice %arg9[%sub3A_218, %dma_start3A_264, %dma_start3A_265] : memref<2x8x128xi32, #tpu.memory_space<vmem>> -> memref<1x8x128xi32, #tpu.memory_space<vmem>>
        %dma_start3A_267 = tpu.memref_squeeze %dma_start3A_266 : memref<1x8x128xi32, #tpu.memory_space<vmem>> -> memref<8x128xi32, #tpu.memory_space<vmem>>
        %dma_start3A_268 = arith.constant 0 : i32
        %dma_start3A_269 = tpu.memref_slice %arg3[%dma_start3A_256, %add3A_240, %dma_start3A_268] : memref<2x2500x128xi32, #tpu.memory_space<hbm>> -> memref<1x8x128xi32, #tpu.memory_space<hbm>>
        %dma_start3A_270 = tpu.memref_squeeze %dma_start3A_269 : memref<1x8x128xi32, #tpu.memory_space<hbm>> -> memref<8x128xi32, #tpu.memory_space<hbm>>
        tpu.enqueue_dma source(%dma_start3A_270 : memref<8x128xi32, #tpu.memory_space<hbm>>) target(%dma_start3A_267 : memref<8x128xi32, #tpu.memory_space<vmem>>) target_semaphore(%arg16 : memref<!tpu.dma_semaphore, #tpu.memory_space<semaphore_mem>>)
      } else {
      }
      %scan3A_224 = arith.constant 0 : i32
      %scan3A_225 = arith.constant 0 : i32
      %scan3A_226 = arith.constant 10 : i32
      %scan3A_227 = arith.addi %scan3A_225, %scan3A_226 : i32
      %scan3A_228 = arith.constant 1 : i32
      scf.for %scan3A_236 = %scan3A_225 to %scan3A_227 step %scan3A_228  : i32 {
        %ge3A = arith.constant 2 : i32
        %ge3A_237 = arith.cmpi sge, %scan3A_236, %ge3A : i32
        %convert_element_type3A_238 = arith.extui %ge3A_237 : i1 to i32
        %cond3A_239 = arith.constant 0 : i32
        %cond3A_240 = arith.cmpi ne, %convert_element_type3A_238, %cond3A_239 : i32
        scf.if %cond3A_240 {
          %sub3A_246 = arith.constant 2 : i32
          %sub3A_247 = arith.subi %scan3A_236, %sub3A_246 : i32
          %rem3A_248 = arith.constant 2 : i32
          %rem3A_249 = arith.remsi %sub3A_247, %rem3A_248 : i32
          %dma_wait3A_250 = arith.constant 0 : i32
          %dma_wait3A_251 = arith.constant 0 : i32
          %dma_wait3A_252 = tpu.memref_slice %arg13[%rem3A_249, %dma_wait3A_250, %dma_wait3A_251] : memref<2x128x128xf32, #tpu.memory_space<vmem>> -> memref<1x128x128xf32, #tpu.memory_space<vmem>>
          %dma_wait3A_253 = tpu.memref_squeeze %dma_wait3A_252 : memref<1x128x128xf32, #tpu.memory_space<vmem>> -> memref<128x128xf32, #tpu.memory_space<vmem>>
          %dma_wait3A_254 = arith.constant 0 : i32
          %dma_wait3A_255 = arith.constant 0 : i32
          %dma_wait3A_256 = tpu.memref_slice %arg2[%dma_wait3A_254, %dma_wait3A_255] : memref<10000x128xf32, #tpu.memory_space<hbm>> -> memref<128x128xf32, #tpu.memory_space<hbm>>
          %dma_wait3A_257 = arith.constant 0 : i32
          %dma_wait3A_258 = arith.constant 0 : i32
          %dma_wait3A_259 = tpu.memref_slice %arg13[%rem3A_249, %dma_wait3A_257, %dma_wait3A_258] : memref<2x128x128xf32, #tpu.memory_space<vmem>> -> memref<1x128x128xf32, #tpu.memory_space<vmem>>
          %dma_wait3A_260 = tpu.memref_squeeze %dma_wait3A_259 : memref<1x128x128xf32, #tpu.memory_space<vmem>> -> memref<128x128xf32, #tpu.memory_space<vmem>>
          %dma_wait3A_261 = arith.constant 0 : i32
          %dma_wait3A_262 = arith.constant 0 : i32
          %dma_wait3A_263 = tpu.memref_slice %arg2[%dma_wait3A_261, %dma_wait3A_262] : memref<10000x128xf32, #tpu.memory_space<hbm>> -> memref<128x128xf32, #tpu.memory_space<hbm>>
          tpu.wait_dma2 semaphore(%arg15 : memref<!tpu.dma_semaphore, #tpu.memory_space<semaphore_mem>>) src(%dma_wait3A_263 : memref<128x128xf32, #tpu.memory_space<hbm>>) dst(%dma_wait3A_260 : memref<128x128xf32, #tpu.memory_space<vmem>>)
          %get3A = arith.index_cast %rem3A_216 : i32 to index
          %get3A_264 = arith.index_cast %sub3A_247 : i32 to index
          %get3A_265 = arith.constant 0 : index
          %get3A_266 = tpu.vector_load %arg9[%get3A, %get3A_264, %get3A_265] {strides = array<i32>} : memref<2x8x128xi32, #tpu.memory_space<vmem>>, vector<16xi32>,
          tpu.vector_store_idx %arg14[%get3A_266], %broadcast_in_dim3A_32 {add = true} : memref<10240xf32, #tpu.memory_space<vmem>>[vector<16xi32>], vector<16xf32>,
          %get3A_267 = arith.index_cast %rem3A_216 : i32 to index
          %get3A_268 = arith.index_cast %sub3A_247 : i32 to index
          %get3A_269 = arith.constant 16 : index
          %get3A_270 = tpu.vector_load %arg9[%get3A_267, %get3A_268, %get3A_269] {strides = array<i32>} : memref<2x8x128xi32, #tpu.memory_space<vmem>>, vector<16xi32>,
          tpu.vector_store_idx %arg14[%get3A_270], %broadcast_in_dim3A_32 {add = true} : memref<10240xf32, #tpu.memory_space<vmem>>[vector<16xi32>], vector<16xf32>,
          %get3A_271 = arith.index_cast %rem3A_216 : i32 to index
          %get3A_272 = arith.index_cast %sub3A_247 : i32 to index
          %get3A_273 = arith.constant 32 : index
          %get3A_274 = tpu.vector_load %arg9[%get3A_271, %get3A_272, %get3A_273] {strides = array<i32>} : memref<2x8x128xi32, #tpu.memory_space<vmem>>, vector<16xi32>,
          tpu.vector_store_idx %arg14[%get3A_274], %broadcast_in_dim3A_32 {add = true} : memref<10240xf32, #tpu.memory_space<vmem>>[vector<16xi32>], vector<16xf32>,
          %get3A_275 = arith.index_cast %rem3A_216 : i32 to index
          %get3A_276 = arith.index_cast %sub3A_247 : i32 to index
          %get3A_277 = arith.constant 48 : index
          %get3A_278 = tpu.vector_load %arg9[%get3A_275, %get3A_276, %get3A_277] {strides = array<i32>} : memref<2x8x128xi32, #tpu.memory_space<vmem>>, vector<16xi32>,
          tpu.vector_store_idx %arg14[%get3A_278], %broadcast_in_dim3A_32 {add = true} : memref<10240xf32, #tpu.memory_space<vmem>>[vector<16xi32>], vector<16xf32>,
          %get3A_279 = arith.index_cast %rem3A_216 : i32 to index
          %get3A_280 = arith.index_cast %sub3A_247 : i32 to index
          %get3A_281 = arith.constant 64 : index
          %get3A_282 = tpu.vector_load %arg9[%get3A_279, %get3A_280, %get3A_281] {strides = array<i32>} : memref<2x8x128xi32, #tpu.memory_space<vmem>>, vector<16xi32>,
          tpu.vector_store_idx %arg14[%get3A_282], %broadcast_in_dim3A_32 {add = true} : memref<10240xf32, #tpu.memory_space<vmem>>[vector<16xi32>], vector<16xf32>,
          %get3A_283 = arith.index_cast %rem3A_216 : i32 to index
          %get3A_284 = arith.index_cast %sub3A_247 : i32 to index
          %get3A_285 = arith.constant 80 : index
          %get3A_286 = tpu.vector_load %arg9[%get3A_283, %get3A_284, %get3A_285] {strides = array<i32>} : memref<2x8x128xi32, #tpu.memory_space<vmem>>, vector<16xi32>,
          tpu.vector_store_idx %arg14[%get3A_286], %broadcast_in_dim3A_32 {add = true} : memref<10240xf32, #tpu.memory_space<vmem>>[vector<16xi32>], vector<16xf32>,
          %get3A_287 = arith.index_cast %rem3A_216 : i32 to index
          %get3A_288 = arith.index_cast %sub3A_247 : i32 to index
          %get3A_289 = arith.constant 96 : index
          %get3A_290 = tpu.vector_load %arg9[%get3A_287, %get3A_288, %get3A_289] {strides = array<i32>} : memref<2x8x128xi32, #tpu.memory_space<vmem>>, vector<16xi32>,
          tpu.vector_store_idx %arg14[%get3A_290], %broadcast_in_dim3A_32 {add = true} : memref<10240xf32, #tpu.memory_space<vmem>>[vector<16xi32>], vector<16xf32>,
          %get3A_291 = arith.index_cast %rem3A_216 : i32 to index
          %get3A_292 = arith.index_cast %sub3A_247 : i32 to index
          %get3A_293 = arith.constant 112 : index
          %get3A_294 = tpu.vector_load %arg9[%get3A_291, %get3A_292, %get3A_293] {strides = array<i32>} : memref<2x8x128xi32, #tpu.memory_space<vmem>>, vector<16xi32>,
          tpu.vector_store_idx %arg14[%get3A_294], %broadcast_in_dim3A_32 {add = true} : memref<10240xf32, #tpu.memory_space<vmem>>[vector<16xi32>], vector<16xf32>,
          "tpu.region"() ({
            %run_scoped3A_295 = tpu.sem_alloc : memref<!tpu.dma_semaphore, #tpu.memory_space<semaphore_mem>>
            %dma_start3A_296 = arith.constant 0 : i32
            %dma_start3A_297 = arith.constant 0 : i32
            %dma_start3A_298 = tpu.memref_slice %arg13[%rem3A_249, %dma_start3A_296, %dma_start3A_297] : memref<2x128x128xf32, #tpu.memory_space<vmem>> -> memref<1x128x128xf32, #tpu.memory_space<vmem>>
            %dma_start3A_299 = tpu.memref_squeeze %dma_start3A_298 : memref<1x128x128xf32, #tpu.memory_space<vmem>> -> memref<128x128xf32, #tpu.memory_space<vmem>>
            %dma_start3A_300 = arith.constant 0 : i32
            %dma_start3A_301 = tpu.memref_slice %arg9[%rem3A_216, %sub3A_247, %dma_start3A_300] : memref<2x8x128xi32, #tpu.memory_space<vmem>> -> memref<1x1x128xi32, #tpu.memory_space<vmem>>
            %dma_start3A_302 = tpu.memref_squeeze %dma_start3A_301 : memref<1x1x128xi32, #tpu.memory_space<vmem>> -> memref<128xi32, #tpu.memory_space<vmem>>
            %dma_start3A_303 = arith.constant 0 : i32
            %dma_start3A_304 = arith.constant 0 : i32
            %dma_start3A_305 = tpu.memref_slice %arg17[%dma_start3A_303, %dma_start3A_304] : memref<10240x128xf32, #tpu.memory_space<vmem_shared>> -> memref<10240x128xf32, #tpu.memory_space<vmem_shared>>
            tpu.enqueue_indirect_dma source(%dma_start3A_299 : memref<128x128xf32, #tpu.memory_space<vmem>>) target(%dma_start3A_305 : memref<10240x128xf32, #tpu.memory_space<vmem_shared>>) offsets(%dma_start3A_302 : memref<128xi32, #tpu.memory_space<vmem>>) semaphore(%run_scoped3A_295 : memref<!tpu.dma_semaphore, #tpu.memory_space<semaphore_mem>>) {add = true}
            %dma_wait3A_306 = arith.constant 0 : i32
            %dma_wait3A_307 = arith.constant 0 : i32
            %dma_wait3A_308 = tpu.memref_slice %arg13[%rem3A_249, %dma_wait3A_306, %dma_wait3A_307] : memref<2x128x128xf32, #tpu.memory_space<vmem>> -> memref<1x128x128xf32, #tpu.memory_space<vmem>>
            %dma_wait3A_309 = tpu.memref_squeeze %dma_wait3A_308 : memref<1x128x128xf32, #tpu.memory_space<vmem>> -> memref<128x128xf32, #tpu.memory_space<vmem>>
            %dma_wait3A_310 = arith.constant 0 : i32
            %dma_wait3A_311 = tpu.memref_slice %arg9[%rem3A_216, %sub3A_247, %dma_wait3A_310] : memref<2x8x128xi32, #tpu.memory_space<vmem>> -> memref<1x1x128xi32, #tpu.memory_space<vmem>>
            %dma_wait3A_312 = tpu.memref_squeeze %dma_wait3A_311 : memref<1x1x128xi32, #tpu.memory_space<vmem>> -> memref<128xi32, #tpu.memory_space<vmem>>
            %dma_wait3A_313 = arith.constant 0 : i32
            %dma_wait3A_314 = arith.constant 0 : i32
            %dma_wait3A_315 = tpu.memref_slice %arg17[%dma_wait3A_313, %dma_wait3A_314] : memref<10240x128xf32, #tpu.memory_space<vmem_shared>> -> memref<10240x128xf32, #tpu.memory_space<vmem_shared>>
            tpu.wait_indirect_dma semaphore(%run_scoped3A_295 : memref<!tpu.dma_semaphore, #tpu.memory_space<semaphore_mem>>) src(%dma_wait3A_309 : memref<128x128xf32, #tpu.memory_space<vmem>>) dst(%dma_wait3A_315 : memref<10240x128xf32, #tpu.memory_space<vmem_shared>>)
            tpu.yield
          }) : () -> ()
        } else {
        }
        %lt3A_241 = arith.constant 8 : i32
        %lt3A_242 = arith.cmpi slt, %scan3A_236, %lt3A_241 : i32
        %convert_element_type3A_243 = arith.extui %lt3A_242 : i1 to i32
        %cond3A_244 = arith.constant 0 : i32
        %cond3A_245 = arith.cmpi ne, %convert_element_type3A_243, %cond3A_244 : i32
        scf.if %cond3A_245 {
          %rem3A_246 = arith.constant 2 : i32
          %rem3A_247 = arith.remsi %scan3A_236, %rem3A_246 : i32
          %dma_start3A_248 = arith.constant 0 : i32
          %dma_start3A_249 = arith.constant 0 : i32
          %dma_start3A_250 = tpu.memref_slice %arg13[%rem3A_247, %dma_start3A_248, %dma_start3A_249] : memref<2x128x128xf32, #tpu.memory_space<vmem>> -> memref<1x128x128xf32, #tpu.memory_space<vmem>>
          %dma_start3A_251 = tpu.memref_squeeze %dma_start3A_250 : memref<1x128x128xf32, #tpu.memory_space<vmem>> -> memref<128x128xf32, #tpu.memory_space<vmem>>
          %dma_start3A_252 = arith.constant 0 : i32
          %dma_start3A_253 = tpu.memref_slice %arg8[%rem3A_216, %scan3A_236, %dma_start3A_252] : memref<2x8x128xi32, #tpu.memory_space<vmem>> -> memref<1x1x128xi32, #tpu.memory_space<vmem>>
          %dma_start3A_254 = tpu.memref_squeeze %dma_start3A_253 : memref<1x1x128xi32, #tpu.memory_space<vmem>> -> memref<128xi32, #tpu.memory_space<vmem>>
          %dma_start3A_255 = arith.constant 0 : i32
          %dma_start3A_256 = arith.constant 0 : i32
          %dma_start3A_257 = tpu.memref_slice %arg2[%dma_start3A_255, %dma_start3A_256] : memref<10000x128xf32, #tpu.memory_space<hbm>> -> memref<10000x128xf32, #tpu.memory_space<hbm>>
          tpu.enqueue_indirect_dma source(%dma_start3A_257 : memref<10000x128xf32, #tpu.memory_space<hbm>>) target(%dma_start3A_251 : memref<128x128xf32, #tpu.memory_space<vmem>>) offsets(%dma_start3A_254 : memref<128xi32, #tpu.memory_space<vmem>>) semaphore(%arg15 : memref<!tpu.dma_semaphore, #tpu.memory_space<semaphore_mem>>)
        } else {
        }
      }
      %scan3A_229 = arith.constant 10 : i32
      %add3A_230 = arith.constant 1 : i32
      %add3A_231 = arith.addi %while3A_214, %add3A_230 : i32
      %lt3A_232 = arith.cmpi slt, %add3A_231, %add3A_31 : i32
      %convert_element_type3A_233 = arith.extui %lt3A_232 : i1 to i32
      %cond3A_234 = arith.constant 0 : i32
      %cond3A_235 = arith.cmpi ne, %convert_element_type3A_233, %cond3A_234 : i32
      scf.if %cond3A_235 {
        %dma_wait3A_236 = arith.constant 0 : i32
        %dma_wait3A_237 = arith.constant 0 : i32
        %dma_wait3A_238 = arith.constant 0 : i32
        %dma_wait3A_239 = tpu.memref_slice %arg8[%sub3A_218, %dma_wait3A_237, %dma_wait3A_238] : memref<2x8x128xi32, #tpu.memory_space<vmem>> -> memref<1x8x128xi32, #tpu.memory_space<vmem>>
        %dma_wait3A_240 = tpu.memref_squeeze %dma_wait3A_239 : memref<1x8x128xi32, #tpu.memory_space<vmem>> -> memref<8x128xi32, #tpu.memory_space<vmem>>
        %dma_wait3A_241 = arith.constant 0 : i32
        %dma_wait3A_242 = arith.constant 0 : i32
        %dma_wait3A_243 = tpu.memref_slice %arg3[%dma_wait3A_236, %dma_wait3A_241, %dma_wait3A_242] : memref<2x2500x128xi32, #tpu.memory_space<hbm>> -> memref<1x8x128xi32, #tpu.memory_space<hbm>>
        %dma_wait3A_244 = tpu.memref_squeeze %dma_wait3A_243 : memref<1x8x128xi32, #tpu.memory_space<hbm>> -> memref<8x128xi32, #tpu.memory_space<hbm>>
        %dma_wait3A_245 = arith.constant 0 : i32
        %dma_wait3A_246 = arith.constant 0 : i32
        %dma_wait3A_247 = tpu.memref_slice %arg8[%sub3A_218, %dma_wait3A_245, %dma_wait3A_246] : memref<2x8x128xi32, #tpu.memory_space<vmem>> -> memref<1x8x128xi32, #tpu.memory_space<vmem>>
        %dma_wait3A_248 = tpu.memref_squeeze %dma_wait3A_247 : memref<1x8x128xi32, #tpu.memory_space<vmem>> -> memref<8x128xi32, #tpu.memory_space<vmem>>
        %dma_wait3A_249 = arith.constant 0 : i32
        %dma_wait3A_250 = arith.constant 0 : i32
        %dma_wait3A_251 = tpu.memref_slice %arg3[%dma_wait3A_236, %dma_wait3A_249, %dma_wait3A_250] : memref<2x2500x128xi32, #tpu.memory_space<hbm>> -> memref<1x8x128xi32, #tpu.memory_space<hbm>>
        %dma_wait3A_252 = tpu.memref_squeeze %dma_wait3A_251 : memref<1x8x128xi32, #tpu.memory_space<hbm>> -> memref<8x128xi32, #tpu.memory_space<hbm>>
        tpu.wait_dma2 semaphore(%arg16 : memref<!tpu.dma_semaphore, #tpu.memory_space<semaphore_mem>>) src(%dma_wait3A_252 : memref<8x128xi32, #tpu.memory_space<hbm>>) dst(%dma_wait3A_248 : memref<8x128xi32, #tpu.memory_space<vmem>>)
        %dma_wait3A_253 = arith.constant 1 : i32
        %dma_wait3A_254 = arith.constant 0 : i32
        %dma_wait3A_255 = arith.constant 0 : i32
        %dma_wait3A_256 = tpu.memref_slice %arg9[%sub3A_218, %dma_wait3A_254, %dma_wait3A_255] : memref<2x8x128xi32, #tpu.memory_space<vmem>> -> memref<1x8x128xi32, #tpu.memory_space<vmem>>
        %dma_wait3A_257 = tpu.memref_squeeze %dma_wait3A_256 : memref<1x8x128xi32, #tpu.memory_space<vmem>> -> memref<8x128xi32, #tpu.memory_space<vmem>>
        %dma_wait3A_258 = arith.constant 0 : i32
        %dma_wait3A_259 = arith.constant 0 : i32
        %dma_wait3A_260 = tpu.memref_slice %arg3[%dma_wait3A_253, %dma_wait3A_258, %dma_wait3A_259] : memref<2x2500x128xi32, #tpu.memory_space<hbm>> -> memref<1x8x128xi32, #tpu.memory_space<hbm>>
        %dma_wait3A_261 = tpu.memref_squeeze %dma_wait3A_260 : memref<1x8x128xi32, #tpu.memory_space<hbm>> -> memref<8x128xi32, #tpu.memory_space<hbm>>
        %dma_wait3A_262 = arith.constant 0 : i32
        %dma_wait3A_263 = arith.constant 0 : i32
        %dma_wait3A_264 = tpu.memref_slice %arg9[%sub3A_218, %dma_wait3A_262, %dma_wait3A_263] : memref<2x8x128xi32, #tpu.memory_space<vmem>> -> memref<1x8x128xi32, #tpu.memory_space<vmem>>
        %dma_wait3A_265 = tpu.memref_squeeze %dma_wait3A_264 : memref<1x8x128xi32, #tpu.memory_space<vmem>> -> memref<8x128xi32, #tpu.memory_space<vmem>>
        %dma_wait3A_266 = arith.constant 0 : i32
        %dma_wait3A_267 = arith.constant 0 : i32
        %dma_wait3A_268 = tpu.memref_slice %arg3[%dma_wait3A_253, %dma_wait3A_266, %dma_wait3A_267] : memref<2x2500x128xi32, #tpu.memory_space<hbm>> -> memref<1x8x128xi32, #tpu.memory_space<hbm>>
        %dma_wait3A_269 = tpu.memref_squeeze %dma_wait3A_268 : memref<1x8x128xi32, #tpu.memory_space<hbm>> -> memref<8x128xi32, #tpu.memory_space<hbm>>
        tpu.wait_dma2 semaphore(%arg16 : memref<!tpu.dma_semaphore, #tpu.memory_space<semaphore_mem>>) src(%dma_wait3A_269 : memref<8x128xi32, #tpu.memory_space<hbm>>) dst(%dma_wait3A_265 : memref<8x128xi32, #tpu.memory_space<vmem>>)
      } else {
      }
    }
    %eq3A_206 = arith.constant 3 : i32
    %eq3A_207 = arith.cmpi eq, %add3A, %eq3A_206 : i32
    %convert_element_type3A_208 = arith.extui %eq3A_207 : i1 to i32
    %cond3A = arith.constant 0 : i32
    %cond3A_209 = arith.cmpi ne, %convert_element_type3A_208, %cond3A : i32
    scf.if %cond3A_209 {
      %scan3A_214 = arith.constant 0 : i32
      %scan3A_215 = arith.constant 0 : i32
      %scan3A_216 = arith.constant 4 : i32
      %scan3A_217 = arith.addi %scan3A_215, %scan3A_216 : i32
      %scan3A_218 = arith.constant 1 : i32
      scf.for %scan3A_220 = %scan3A_215 to %scan3A_217 step %scan3A_218  : i32 {
        %mul3A_221 = arith.constant 128 : i32
        %mul3A_222 = arith.muli %scan3A_220, %mul3A_221 : i32
        "tpu.region"() ({
          %run_scoped3A_294 = tpu.sem_alloc : memref<!tpu.dma_semaphore, #tpu.memory_space<semaphore_mem>>
          %dma_start3A_295 = tpu.memref_slice %arg4[%mul3A_222] : memref<512xi32, #tpu.memory_space<hbm>> -> memref<128xi32, #tpu.memory_space<hbm>>
          %dma_start3A_296 = tpu.memref_slice %arg4[%mul3A_222] : memref<512xi32, #tpu.memory_space<hbm>> -> memref<128xi32, #tpu.memory_space<hbm>>
          tpu.enqueue_dma source(%dma_start3A_296 : memref<128xi32, #tpu.memory_space<hbm>>) target(%arg10 : memref<128xi32, #tpu.memory_space<vmem>>) target_semaphore(%run_scoped3A_294 : memref<!tpu.dma_semaphore, #tpu.memory_space<semaphore_mem>>)
          %dma_wait3A_297 = tpu.memref_slice %arg4[%mul3A_222] : memref<512xi32, #tpu.memory_space<hbm>> -> memref<128xi32, #tpu.memory_space<hbm>>
          %dma_wait3A_298 = tpu.memref_slice %arg4[%mul3A_222] : memref<512xi32, #tpu.memory_space<hbm>> -> memref<128xi32, #tpu.memory_space<hbm>>
          tpu.wait_dma2 semaphore(%run_scoped3A_294 : memref<!tpu.dma_semaphore, #tpu.memory_space<semaphore_mem>>) src(%dma_wait3A_298 : memref<128xi32, #tpu.memory_space<hbm>>) dst(%arg10 : memref<128xi32, #tpu.memory_space<vmem>>)
          tpu.yield
        }) : () -> ()
        "tpu.region"() ({
          %run_scoped3A_294 = tpu.sem_alloc : memref<!tpu.dma_semaphore, #tpu.memory_space<semaphore_mem>>
          %dma_start3A_295 = tpu.memref_slice %arg5[%mul3A_222] : memref<512xi32, #tpu.memory_space<hbm>> -> memref<128xi32, #tpu.memory_space<hbm>>
          %dma_start3A_296 = tpu.memref_slice %arg5[%mul3A_222] : memref<512xi32, #tpu.memory_space<hbm>> -> memref<128xi32, #tpu.memory_space<hbm>>
          tpu.enqueue_dma source(%dma_start3A_296 : memref<128xi32, #tpu.memory_space<hbm>>) target(%arg11 : memref<128xi32, #tpu.memory_space<vmem>>) target_semaphore(%run_scoped3A_294 : memref<!tpu.dma_semaphore, #tpu.memory_space<semaphore_mem>>)
          %dma_wait3A_297 = tpu.memref_slice %arg5[%mul3A_222] : memref<512xi32, #tpu.memory_space<hbm>> -> memref<128xi32, #tpu.memory_space<hbm>>
          %dma_wait3A_298 = tpu.memref_slice %arg5[%mul3A_222] : memref<512xi32, #tpu.memory_space<hbm>> -> memref<128xi32, #tpu.memory_space<hbm>>
          tpu.wait_dma2 semaphore(%run_scoped3A_294 : memref<!tpu.dma_semaphore, #tpu.memory_space<semaphore_mem>>) src(%dma_wait3A_298 : memref<128xi32, #tpu.memory_space<hbm>>) dst(%arg11 : memref<128xi32, #tpu.memory_space<vmem>>)
          tpu.yield
        }) : () -> ()
        %dma_start3A_223 = arith.constant 0 : i32
        %dma_start3A_224 = arith.constant 0 : i32
        %dma_start3A_225 = arith.constant 0 : i32
        %dma_start3A_226 = tpu.memref_slice %arg13[%dma_start3A_223, %dma_start3A_224, %dma_start3A_225] : memref<2x128x128xf32, #tpu.memory_space<vmem>> -> memref<1x128x128xf32, #tpu.memory_space<vmem>>
        %dma_start3A_227 = tpu.memref_squeeze %dma_start3A_226 : memref<1x128x128xf32, #tpu.memory_space<vmem>> -> memref<128x128xf32, #tpu.memory_space<vmem>>
        %dma_start3A_228 = arith.constant 0 : i32
        %dma_start3A_229 = arith.constant 0 : i32
        %dma_start3A_230 = tpu.memref_slice %arg2[%dma_start3A_228, %dma_start3A_229] : memref<10000x128xf32, #tpu.memory_space<hbm>> -> memref<10000x128xf32, #tpu.memory_space<hbm>>
        tpu.enqueue_indirect_dma source(%dma_start3A_230 : memref<10000x128xf32, #tpu.memory_space<hbm>>) target(%dma_start3A_227 : memref<128x128xf32, #tpu.memory_space<vmem>>) offsets(%arg10 : memref<128xi32, #tpu.memory_space<vmem>>) semaphore(%arg15 : memref<!tpu.dma_semaphore, #tpu.memory_space<semaphore_mem>>)
        %dma_wait3A_231 = arith.constant 0 : i32
        %dma_wait3A_232 = arith.constant 0 : i32
        %dma_wait3A_233 = arith.constant 0 : i32
        %dma_wait3A_234 = tpu.memref_slice %arg13[%dma_wait3A_231, %dma_wait3A_232, %dma_wait3A_233] : memref<2x128x128xf32, #tpu.memory_space<vmem>> -> memref<1x128x128xf32, #tpu.memory_space<vmem>>
        %dma_wait3A_235 = tpu.memref_squeeze %dma_wait3A_234 : memref<1x128x128xf32, #tpu.memory_space<vmem>> -> memref<128x128xf32, #tpu.memory_space<vmem>>
        %dma_wait3A_236 = arith.constant 0 : i32
        %dma_wait3A_237 = arith.constant 0 : i32
        %dma_wait3A_238 = tpu.memref_slice %arg2[%dma_wait3A_236, %dma_wait3A_237] : memref<10000x128xf32, #tpu.memory_space<hbm>> -> memref<128x128xf32, #tpu.memory_space<hbm>>
        %dma_wait3A_239 = arith.constant 0 : i32
        %dma_wait3A_240 = arith.constant 0 : i32
        %dma_wait3A_241 = tpu.memref_slice %arg13[%dma_wait3A_231, %dma_wait3A_239, %dma_wait3A_240] : memref<2x128x128xf32, #tpu.memory_space<vmem>> -> memref<1x128x128xf32, #tpu.memory_space<vmem>>
        %dma_wait3A_242 = tpu.memref_squeeze %dma_wait3A_241 : memref<1x128x128xf32, #tpu.memory_space<vmem>> -> memref<128x128xf32, #tpu.memory_space<vmem>>
        %dma_wait3A_243 = arith.constant 0 : i32
        %dma_wait3A_244 = arith.constant 0 : i32
        %dma_wait3A_245 = tpu.memref_slice %arg2[%dma_wait3A_243, %dma_wait3A_244] : memref<10000x128xf32, #tpu.memory_space<hbm>> -> memref<128x128xf32, #tpu.memory_space<hbm>>
        tpu.wait_dma2 semaphore(%arg15 : memref<!tpu.dma_semaphore, #tpu.memory_space<semaphore_mem>>) src(%dma_wait3A_245 : memref<128x128xf32, #tpu.memory_space<hbm>>) dst(%dma_wait3A_242 : memref<128x128xf32, #tpu.memory_space<vmem>>)
        %get3A = arith.constant 0 : index
        %get3A_246 = tpu.vector_load %arg11[%get3A] {strides = array<i32>} : memref<128xi32, #tpu.memory_space<vmem>>, vector<16xi32>,
        tpu.vector_store_idx %arg14[%get3A_246], %broadcast_in_dim3A_32 {add = true} : memref<10240xf32, #tpu.memory_space<vmem>>[vector<16xi32>], vector<16xf32>,
        %swap3A = arith.constant 0 : i32
        %swap3A_247 = arith.index_cast %swap3A : i32 to index
        %swap3A_248 = arith.constant 0 : index
        %swap3A_249 = tpu.vector_load %arg12[%swap3A_247, %swap3A_248] {strides = array<i32>} : memref<1x128xi32, #tpu.memory_space<vmem>>, vector<16xi32>,
        tpu.vector_store %arg12[%swap3A_247, %swap3A_248], %get3A_246 {strides = array<i32>} : memref<1x128xi32, #tpu.memory_space<vmem>>, vector<16xi32>,
        %get3A_250 = arith.constant 16 : index
        %get3A_251 = tpu.vector_load %arg11[%get3A_250] {strides = array<i32>} : memref<128xi32, #tpu.memory_space<vmem>>, vector<16xi32>,
        tpu.vector_store_idx %arg14[%get3A_251], %broadcast_in_dim3A_32 {add = true} : memref<10240xf32, #tpu.memory_space<vmem>>[vector<16xi32>], vector<16xf32>,
        %swap3A_252 = arith.constant 0 : i32
        %swap3A_253 = arith.index_cast %swap3A_252 : i32 to index
        %swap3A_254 = arith.constant 16 : index
        %swap3A_255 = tpu.vector_load %arg12[%swap3A_253, %swap3A_254] {strides = array<i32>} : memref<1x128xi32, #tpu.memory_space<vmem>>, vector<16xi32>,
        tpu.vector_store %arg12[%swap3A_253, %swap3A_254], %get3A_251 {strides = array<i32>} : memref<1x128xi32, #tpu.memory_space<vmem>>, vector<16xi32>,
        %get3A_256 = arith.constant 32 : index
        %get3A_257 = tpu.vector_load %arg11[%get3A_256] {strides = array<i32>} : memref<128xi32, #tpu.memory_space<vmem>>, vector<16xi32>,
        tpu.vector_store_idx %arg14[%get3A_257], %broadcast_in_dim3A_32 {add = true} : memref<10240xf32, #tpu.memory_space<vmem>>[vector<16xi32>], vector<16xf32>,
        %swap3A_258 = arith.constant 0 : i32
        %swap3A_259 = arith.index_cast %swap3A_258 : i32 to index
        %swap3A_260 = arith.constant 32 : index
        %swap3A_261 = tpu.vector_load %arg12[%swap3A_259, %swap3A_260] {strides = array<i32>} : memref<1x128xi32, #tpu.memory_space<vmem>>, vector<16xi32>,
        tpu.vector_store %arg12[%swap3A_259, %swap3A_260], %get3A_257 {strides = array<i32>} : memref<1x128xi32, #tpu.memory_space<vmem>>, vector<16xi32>,
        %get3A_262 = arith.constant 48 : index
        %get3A_263 = tpu.vector_load %arg11[%get3A_262] {strides = array<i32>} : memref<128xi32, #tpu.memory_space<vmem>>, vector<16xi32>,
        tpu.vector_store_idx %arg14[%get3A_263], %broadcast_in_dim3A_32 {add = true} : memref<10240xf32, #tpu.memory_space<vmem>>[vector<16xi32>], vector<16xf32>,
        %swap3A_264 = arith.constant 0 : i32
        %swap3A_265 = arith.index_cast %swap3A_264 : i32 to index
        %swap3A_266 = arith.constant 48 : index
        %swap3A_267 = tpu.vector_load %arg12[%swap3A_265, %swap3A_266] {strides = array<i32>} : memref<1x128xi32, #tpu.memory_space<vmem>>, vector<16xi32>,
        tpu.vector_store %arg12[%swap3A_265, %swap3A_266], %get3A_263 {strides = array<i32>} : memref<1x128xi32, #tpu.memory_space<vmem>>, vector<16xi32>,
        %get3A_268 = arith.constant 64 : index
        %get3A_269 = tpu.vector_load %arg11[%get3A_268] {strides = array<i32>} : memref<128xi32, #tpu.memory_space<vmem>>, vector<16xi32>,
        tpu.vector_store_idx %arg14[%get3A_269], %broadcast_in_dim3A_32 {add = true} : memref<10240xf32, #tpu.memory_space<vmem>>[vector<16xi32>], vector<16xf32>,
        %swap3A_270 = arith.constant 0 : i32
        %swap3A_271 = arith.index_cast %swap3A_270 : i32 to index
        %swap3A_272 = arith.constant 64 : index
        %swap3A_273 = tpu.vector_load %arg12[%swap3A_271, %swap3A_272] {strides = array<i32>} : memref<1x128xi32, #tpu.memory_space<vmem>>, vector<16xi32>,
        tpu.vector_store %arg12[%swap3A_271, %swap3A_272], %get3A_269 {strides = array<i32>} : memref<1x128xi32, #tpu.memory_space<vmem>>, vector<16xi32>,
        %get3A_274 = arith.constant 80 : index
        %get3A_275 = tpu.vector_load %arg11[%get3A_274] {strides = array<i32>} : memref<128xi32, #tpu.memory_space<vmem>>, vector<16xi32>,
        tpu.vector_store_idx %arg14[%get3A_275], %broadcast_in_dim3A_32 {add = true} : memref<10240xf32, #tpu.memory_space<vmem>>[vector<16xi32>], vector<16xf32>,
        %swap3A_276 = arith.constant 0 : i32
        %swap3A_277 = arith.index_cast %swap3A_276 : i32 to index
        %swap3A_278 = arith.constant 80 : index
        %swap3A_279 = tpu.vector_load %arg12[%swap3A_277, %swap3A_278] {strides = array<i32>} : memref<1x128xi32, #tpu.memory_space<vmem>>, vector<16xi32>,
        tpu.vector_store %arg12[%swap3A_277, %swap3A_278], %get3A_275 {strides = array<i32>} : memref<1x128xi32, #tpu.memory_space<vmem>>, vector<16xi32>,
        %get3A_280 = arith.constant 96 : index
        %get3A_281 = tpu.vector_load %arg11[%get3A_280] {strides = array<i32>} : memref<128xi32, #tpu.memory_space<vmem>>, vector<16xi32>,
        tpu.vector_store_idx %arg14[%get3A_281], %broadcast_in_dim3A_32 {add = true} : memref<10240xf32, #tpu.memory_space<vmem>>[vector<16xi32>], vector<16xf32>,
        %swap3A_282 = arith.constant 0 : i32
        %swap3A_283 = arith.index_cast %swap3A_282 : i32 to index
        %swap3A_284 = arith.constant 96 : index
        %swap3A_285 = tpu.vector_load %arg12[%swap3A_283, %swap3A_284] {strides = array<i32>} : memref<1x128xi32, #tpu.memory_space<vmem>>, vector<16xi32>,
        tpu.vector_store %arg12[%swap3A_283, %swap3A_284], %get3A_281 {strides = array<i32>} : memref<1x128xi32, #tpu.memory_space<vmem>>, vector<16xi32>,
        %get3A_286 = arith.constant 112 : index
        %get3A_287 = tpu.vector_load %arg11[%get3A_286] {strides = array<i32>} : memref<128xi32, #tpu.memory_space<vmem>>, vector<16xi32>,
        tpu.vector_store_idx %arg14[%get3A_287], %broadcast_in_dim3A_32 {add = true} : memref<10240xf32, #tpu.memory_space<vmem>>[vector<16xi32>], vector<16xf32>,
        %swap3A_288 = arith.constant 0 : i32
        %swap3A_289 = arith.index_cast %swap3A_288 : i32 to index
        %swap3A_290 = arith.constant 112 : index
        %swap3A_291 = tpu.vector_load %arg12[%swap3A_289, %swap3A_290] {strides = array<i32>} : memref<1x128xi32, #tpu.memory_space<vmem>>, vector<16xi32>,
        tpu.vector_store %arg12[%swap3A_289, %swap3A_290], %get3A_287 {strides = array<i32>} : memref<1x128xi32, #tpu.memory_space<vmem>>, vector<16xi32>,
        %run_scoped3A_292 = arith.constant 0 : i32
        %run_scoped3A_293 = arith.constant 0 : i32
        "tpu.region"() ({
          %run_scoped3A_294 = tpu.sem_alloc : memref<!tpu.dma_semaphore, #tpu.memory_space<semaphore_mem>>
          %dma_start3A_295 = arith.constant 0 : i32
          %dma_start3A_296 = arith.constant 0 : i32
          %dma_start3A_297 = tpu.memref_slice %arg13[%run_scoped3A_292, %dma_start3A_295, %dma_start3A_296] : memref<2x128x128xf32, #tpu.memory_space<vmem>> -> memref<1x128x128xf32, #tpu.memory_space<vmem>>
          %dma_start3A_298 = tpu.memref_squeeze %dma_start3A_297 : memref<1x128x128xf32, #tpu.memory_space<vmem>> -> memref<128x128xf32, #tpu.memory_space<vmem>>
          %dma_start3A_299 = arith.constant 0 : i32
          %dma_start3A_300 = tpu.memref_slice %arg12[%run_scoped3A_293, %dma_start3A_299] : memref<1x128xi32, #tpu.memory_space<vmem>> -> memref<1x128xi32, #tpu.memory_space<vmem>>
          %dma_start3A_301 = tpu.memref_squeeze %dma_start3A_300 : memref<1x128xi32, #tpu.memory_space<vmem>> -> memref<128xi32, #tpu.memory_space<vmem>>
          %dma_start3A_302 = arith.constant 0 : i32
          %dma_start3A_303 = arith.constant 0 : i32
          %dma_start3A_304 = tpu.memref_slice %arg17[%dma_start3A_302, %dma_start3A_303] : memref<10240x128xf32, #tpu.memory_space<vmem_shared>> -> memref<10240x128xf32, #tpu.memory_space<vmem_shared>>
          tpu.enqueue_indirect_dma source(%dma_start3A_298 : memref<128x128xf32, #tpu.memory_space<vmem>>) target(%dma_start3A_304 : memref<10240x128xf32, #tpu.memory_space<vmem_shared>>) offsets(%dma_start3A_301 : memref<128xi32, #tpu.memory_space<vmem>>) semaphore(%run_scoped3A_294 : memref<!tpu.dma_semaphore, #tpu.memory_space<semaphore_mem>>) {add = true}
          %dma_wait3A_305 = arith.constant 0 : i32
          %dma_wait3A_306 = arith.constant 0 : i32
          %dma_wait3A_307 = tpu.memref_slice %arg13[%run_scoped3A_292, %dma_wait3A_305, %dma_wait3A_306] : memref<2x128x128xf32, #tpu.memory_space<vmem>> -> memref<1x128x128xf32, #tpu.memory_space<vmem>>
          %dma_wait3A_308 = tpu.memref_squeeze %dma_wait3A_307 : memref<1x128x128xf32, #tpu.memory_space<vmem>> -> memref<128x128xf32, #tpu.memory_space<vmem>>
          %dma_wait3A_309 = arith.constant 0 : i32
          %dma_wait3A_310 = tpu.memref_slice %arg12[%run_scoped3A_293, %dma_wait3A_309] : memref<1x128xi32, #tpu.memory_space<vmem>> -> memref<1x128xi32, #tpu.memory_space<vmem>>
          %dma_wait3A_311 = tpu.memref_squeeze %dma_wait3A_310 : memref<1x128xi32, #tpu.memory_space<vmem>> -> memref<128xi32, #tpu.memory_space<vmem>>
          %dma_wait3A_312 = arith.constant 0 : i32
          %dma_wait3A_313 = arith.constant 0 : i32
          %dma_wait3A_314 = tpu.memref_slice %arg17[%dma_wait3A_312, %dma_wait3A_313] : memref<10240x128xf32, #tpu.memory_space<vmem_shared>> -> memref<10240x128xf32, #tpu.memory_space<vmem_shared>>
          tpu.wait_indirect_dma semaphore(%run_scoped3A_294 : memref<!tpu.dma_semaphore, #tpu.memory_space<semaphore_mem>>) src(%dma_wait3A_308 : memref<128x128xf32, #tpu.memory_space<vmem>>) dst(%dma_wait3A_314 : memref<10240x128xf32, #tpu.memory_space<vmem_shared>>)
          tpu.yield
        }) : () -> ()
      }
      %scan3A_219 = arith.constant 4 : i32
    } else {
    }
    %barrier3A_210 = arith.constant 0 : index
    tpu.barrier barrier_id(%barrier3A_210)
    %mul3A_211 = arith.constant 10240 : i32
    %mul3A_212 = arith.muli %arg0, %mul3A_211 : i32
    %add3A_213 = arith.addi %mul3A_212, %mul3A_2 : i32
    "tpu.region"() ({
      %run_scoped3A_214 = tpu.sem_alloc : memref<!tpu.dma_semaphore, #tpu.memory_space<semaphore_mem>>
      %dma_start3A_215 = arith.constant 0 : i32
      %dma_start3A_216 = tpu.memref_slice %arg6[%add3A_213, %dma_start3A_215] : memref<20480x128xf32, #tpu.memory_space<hbm>> -> memref<640x128xf32, #tpu.memory_space<hbm>>
      %dma_start3A_217 = arith.constant 0 : i32
      %dma_start3A_218 = tpu.memref_slice %arg17[%mul3A_2, %dma_start3A_217] : memref<10240x128xf32, #tpu.memory_space<vmem_shared>> -> memref<640x128xf32, #tpu.memory_space<vmem_shared>>
      tpu.enqueue_dma source(%dma_start3A_218 : memref<640x128xf32, #tpu.memory_space<vmem_shared>>) target(%dma_start3A_216 : memref<640x128xf32, #tpu.memory_space<hbm>>) target_semaphore(%run_scoped3A_214 : memref<!tpu.dma_semaphore, #tpu.memory_space<semaphore_mem>>)
      %dma_wait3A_219 = arith.constant 0 : i32
      %dma_wait3A_220 = tpu.memref_slice %arg6[%add3A_213, %dma_wait3A_219] : memref<20480x128xf32, #tpu.memory_space<hbm>> -> memref<640x128xf32, #tpu.memory_space<hbm>>
      %dma_wait3A_221 = arith.constant 0 : i32
      %dma_wait3A_222 = tpu.memref_slice %arg17[%mul3A_2, %dma_wait3A_221] : memref<10240x128xf32, #tpu.memory_space<vmem_shared>> -> memref<640x128xf32, #tpu.memory_space<vmem_shared>>
      tpu.wait_dma2 semaphore(%run_scoped3A_214 : memref<!tpu.dma_semaphore, #tpu.memory_space<semaphore_mem>>) src(%dma_wait3A_222 : memref<640x128xf32, #tpu.memory_space<vmem_shared>>) dst(%dma_wait3A_220 : memref<640x128xf32, #tpu.memory_space<hbm>>)
      tpu.yield
    }) : () -> ()
    "tpu.region"() ({
      %run_scoped3A_214 = tpu.sem_alloc : memref<!tpu.dma_semaphore, #tpu.memory_space<semaphore_mem>>
      %dma_start3A_215 = arith.constant 0 : i32
      %dma_start3A_216 = tpu.memref_slice %arg7[%add3A, %dma_start3A_215] : memref<32x10240xf32, #tpu.memory_space<hbm>> -> memref<1x10240xf32, #tpu.memory_space<hbm>>
      %dma_start3A_217 = tpu.memref_squeeze %dma_start3A_216 : memref<1x10240xf32, #tpu.memory_space<hbm>> -> memref<10240xf32, #tpu.memory_space<hbm>>
      %dma_start3A_218 = arith.constant 0 : i32
      %dma_start3A_219 = tpu.memref_slice %arg7[%add3A, %dma_start3A_218] : memref<32x10240xf32, #tpu.memory_space<hbm>> -> memref<1x10240xf32, #tpu.memory_space<hbm>>
      %dma_start3A_220 = tpu.memref_squeeze %dma_start3A_219 : memref<1x10240xf32, #tpu.memory_space<hbm>> -> memref<10240xf32, #tpu.memory_space<hbm>>
      tpu.enqueue_dma source(%arg14 : memref<10240xf32, #tpu.memory_space<vmem>>) target(%dma_start3A_220 : memref<10240xf32, #tpu.memory_space<hbm>>) target_semaphore(%run_scoped3A_214 : memref<!tpu.dma_semaphore, #tpu.memory_space<semaphore_mem>>)
      %dma_wait3A_221 = arith.constant 0 : i32
      %dma_wait3A_222 = tpu.memref_slice %arg7[%add3A, %dma_wait3A_221] : memref<32x10240xf32, #tpu.memory_space<hbm>> -> memref<1x10240xf32, #tpu.memory_space<hbm>>
      %dma_wait3A_223 = tpu.memref_squeeze %dma_wait3A_222 : memref<1x10240xf32, #tpu.memory_space<hbm>> -> memref<10240xf32, #tpu.memory_space<hbm>>
      %dma_wait3A_224 = arith.constant 0 : i32
      %dma_wait3A_225 = tpu.memref_slice %arg7[%add3A, %dma_wait3A_224] : memref<32x10240xf32, #tpu.memory_space<hbm>> -> memref<1x10240xf32, #tpu.memory_space<hbm>>
      %dma_wait3A_226 = tpu.memref_squeeze %dma_wait3A_225 : memref<1x10240xf32, #tpu.memory_space<hbm>> -> memref<10240xf32, #tpu.memory_space<hbm>>
      tpu.wait_dma2 semaphore(%run_scoped3A_214 : memref<!tpu.dma_semaphore, #tpu.memory_space<semaphore_mem>>) src(%arg14 : memref<10240xf32, #tpu.memory_space<vmem>>) dst(%dma_wait3A_226 : memref<10240xf32, #tpu.memory_space<hbm>>)
      tpu.yield
    }) : () -> ()
    return
  }
}

module attributes {stable_mosaic.version = 14 : i64} {
  func.func @_tc_body(%arg0: i32, %arg1: memref<1024x128xf32, #tpu.memory_space<vmem>>, %arg2: memref<1024x128xf32, #tpu.memory_space<vmem>>, %arg3: memref<32x1024xf32, #tpu.memory_space<vmem>>, %arg4: memref<1024x128xf32, #tpu.memory_space<vmem>>, %arg5: memref<128x128xf32, #tpu.memory_space<vmem>>, %arg6: memref<128x128xf32, #tpu.memory_space<vmem>>, %arg7: memref<1x128xf32, #tpu.memory_space<vmem>>, %arg8: memref<1024x128xf32, #tpu.memory_space<vmem>>) attributes {dimension_semantics = [#tpu.dimension_semantics<arbitrary>], iteration_bounds = array<i64: 10>, scalar_prefetch = 0 : i64, scratch_operands = 0 : i64, tpu.core_type = #tpu.core_type<tc>, window_params = [{transform_indices = @transform_0, window_bounds = array<i64: 1024, 128>}, {transform_indices = @transform_1, window_bounds = array<i64: 1024, 128>}, {transform_indices = @transform_2, window_bounds = array<i64: 32, 1024>}, {transform_indices = @transform_3, window_bounds = array<i64: 1024, 128>}, {pipeline_mode = #tpu.pipeline_mode<synchronous>, transform_indices = @transform_4, window_bounds = array<i64: 128, 128>}, {pipeline_mode = #tpu.pipeline_mode<synchronous>, transform_indices = @transform_5, window_bounds = array<i64: 128, 128>}, {pipeline_mode = #tpu.pipeline_mode<synchronous>, transform_indices = @transform_6, window_bounds = array<i64: 1, 128>}, {transform_indices = @transform_7, window_bounds = array<i64: 1024, 128>}]} {
    %get3A = arith.constant 0 : index
    %get3A_0 = arith.constant 0 : index
    %get3A_1 = vector.load %arg3[%get3A, %get3A_0] : memref<32x1024xf32, #tpu.memory_space<vmem>>, vector<32x1024xf32>
    %reduce_sum3A = arith.constant dense<0.000000e+00> : vector<1024xf32>
    %reduce_sum3A_2 = vector.multi_reduction <add>, %get3A_1, %reduce_sum3A [0] : vector<32x1024xf32> to vector<1024xf32>
    %broadcast_in_dim3A = vector.shape_cast %reduce_sum3A_2 : vector<1024xf32> to vector<1024x1xf32>
    %max3A = arith.constant 1.000000e+00 : f32
    %max3A_3 = vector.broadcast %max3A : f32 to vector<1024x1xf32>
    %max3A_4 = arith.maximumf %broadcast_in_dim3A, %max3A_3 : vector<1024x1xf32>
    %div3A = arith.constant 1.000000e+00 : f32
    %div3A_5 = vector.broadcast %div3A : f32 to vector<1024x1xf32>
    %div3A_6 = arith.divf %div3A_5, %max3A_4 : vector<1024x1xf32>
    %get3A_7 = arith.constant 0 : index
    %get3A_8 = arith.constant 0 : index
    %get3A_9 = vector.load %arg1[%get3A_7, %get3A_8] : memref<1024x128xf32, #tpu.memory_space<vmem>>, vector<1024x128xf32>
    %get3A_10 = arith.constant 0 : index
    %get3A_11 = arith.constant 0 : index
    %get3A_12 = vector.load %arg2[%get3A_10, %get3A_11] : memref<1024x128xf32, #tpu.memory_space<vmem>>, vector<1024x128xf32>
    %add3A = arith.addf %get3A_9, %get3A_12 : vector<1024x128xf32>
    %mul3A = vector.broadcast %div3A_6 : vector<1024x1xf32> to vector<1024x128xf32>
    %mul3A_13 = arith.mulf %add3A, %mul3A : vector<1024x128xf32>
    %get3A_14 = arith.constant 0 : index
    %get3A_15 = arith.constant 0 : index
    %get3A_16 = vector.load %arg5[%get3A_14, %get3A_15] : memref<128x128xf32, #tpu.memory_space<vmem>>, vector<128x128xf32>
    %dot_general3A = arith.constant dense<0.000000e+00> : vector<1024x128xf32>
    %dot_general3A_17 = tpu.matmul %mul3A_13, %get3A_16, %dot_general3A {dimension_numbers = #tpu.dot_dimension_numbers<[1], [0], [0], [1], [0, 0, 1, 1], [], []>, transpose_lhs_hint = false} : vector<1024x128xf32>, vector<128x128xf32>, vector<1024x128xf32> -> vector<1024x128xf32>
    %get3A_18 = arith.constant 0 : index
    %get3A_19 = arith.constant 0 : index
    %get3A_20 = vector.load %arg4[%get3A_18, %get3A_19] : memref<1024x128xf32, #tpu.memory_space<vmem>>, vector<1024x128xf32>
    %get3A_21 = arith.constant 0 : index
    %get3A_22 = arith.constant 0 : index
    %get3A_23 = vector.load %arg6[%get3A_21, %get3A_22] : memref<128x128xf32, #tpu.memory_space<vmem>>, vector<128x128xf32>
    %dot_general3A_24 = arith.constant dense<0.000000e+00> : vector<1024x128xf32>
    %dot_general3A_25 = tpu.matmul %get3A_20, %get3A_23, %dot_general3A_24 {dimension_numbers = #tpu.dot_dimension_numbers<[1], [0], [0], [1], [0, 0, 1, 1], [], []>, transpose_lhs_hint = false} : vector<1024x128xf32>, vector<128x128xf32>, vector<1024x128xf32> -> vector<1024x128xf32>
    %add3A_26 = arith.addf %dot_general3A_17, %dot_general3A_25 : vector<1024x128xf32>
    %get3A_27 = arith.constant 0 : index
    %get3A_28 = arith.constant 0 : index
    %get3A_29 = vector.load %arg7[%get3A_27, %get3A_28] : memref<1x128xf32, #tpu.memory_space<vmem>>, vector<1x128xf32>
    %add3A_30 = vector.broadcast %get3A_29 : vector<1x128xf32> to vector<1024x128xf32>
    %add3A_31 = arith.addf %add3A_26, %add3A_30 : vector<1024x128xf32>
    %swap3A = arith.constant 0 : index
    %swap3A_32 = arith.constant 0 : index
    %swap3A_33 = vector.load %arg8[%swap3A, %swap3A_32] : memref<1024x128xf32, #tpu.memory_space<vmem>>, vector<1024x128xf32>
    tpu.vector_store %arg8[%swap3A, %swap3A_32], %add3A_31 {strides = array<i32>} : memref<1024x128xf32, #tpu.memory_space<vmem>>, vector<1024x128xf32>,
    return
  }
  func.func @transform_0(%arg0: i32) -> (i32, i32) {
    %c0_i32 = arith.constant 0 : i32
    %c0_i32_0 = arith.constant 0 : i32
    return %arg0, %c0_i32 : i32, i32
  }
  func.func @transform_1(%arg0: i32) -> (i32, i32) {
    %add3A = arith.constant 10 : i32
    %add3A_0 = arith.addi %add3A, %arg0 : i32
    %c0_i32 = arith.constant 0 : i32
    %c0_i32_1 = arith.constant 0 : i32
    return %add3A_0, %c0_i32 : i32, i32
  }
  func.func @transform_2(%arg0: i32) -> (i32, i32) {
    %c0_i32 = arith.constant 0 : i32
    %c0_i32_0 = arith.constant 0 : i32
    return %c0_i32, %arg0 : i32, i32
  }
  func.func @transform_3(%arg0: i32) -> (i32, i32) {
    %c0_i32 = arith.constant 0 : i32
    %c0_i32_0 = arith.constant 0 : i32
    return %arg0, %c0_i32 : i32, i32
  }
  func.func @transform_4(%arg0: i32) -> (i32, i32) {
    %c0_i32 = arith.constant 0 : i32
    %c0_i32_0 = arith.constant 0 : i32
    %c0_i32_1 = arith.constant 0 : i32
    return %c0_i32, %c0_i32_0 : i32, i32
  }
  func.func @transform_5(%arg0: i32) -> (i32, i32) {
    %c0_i32 = arith.constant 0 : i32
    %c0_i32_0 = arith.constant 0 : i32
    %c0_i32_1 = arith.constant 0 : i32
    return %c0_i32, %c0_i32_0 : i32, i32
  }
  func.func @transform_6(%arg0: i32) -> (i32, i32) {
    %c0_i32 = arith.constant 0 : i32
    %c0_i32_0 = arith.constant 0 : i32
    %c0_i32_1 = arith.constant 0 : i32
    return %c0_i32, %c0_i32_0 : i32, i32
  }
  func.func @transform_7(%arg0: i32) -> (i32, i32) {
    %c0_i32 = arith.constant 0 : i32
    %c0_i32_0 = arith.constant 0 : i32
    return %arg0, %c0_i32 : i32, i32
  }
}

</mosaic_0001>

<sc_bundles>
// kernel: kernel.4.cloned.1.call-start
scs
__scs_entry_jumppad:
0x0: {  	(pc) =	sbr.rel $0x88, $3  }
0x1: {  	(tag) =	ssettag $0x0;
	lr =	simm.s32 $0x1  }
0x2: {  	[smem:$0x3F9C] =	sst lr;
	_ =	strace $0xD0000000  }
0x3: {  	_ = 	snop  }
0x4: {  	_ = 	snop  }
0x5: {  	_ = 	snop  }
0x6: {  	_ = 	snop  }
0x7: {  	_ = 	snop  }
__scs_overlays_trampoline_lowered:
0x8: {  	[smem:$0x3FAB] =	sst s0  }
0x9: {  	[smem:$0x3FAC] =	sst s1  }
0xa: {  	[smem:$0x3FAD] =	sst s2  }
0xb: {  	[smem:$0x3FAE] =	sst s3  }
0xc: {  	[smem:$0x3FAF] =	sst s4  }
0xd: {  	[smem:$0x3FB0] =	sst s5  }
0xe: {  	[smem:$0x3FB1] =	sst s6  }
0xf: {  	[smem:$0x3FB2] =	sst s7  }
0x10: {  	[smem:$0x3FB3] =	sst s8  }
0x11: {  	[smem:$0x3FB4] =	sst s9;
	s0 =	simm.s32 @!p0 $0x0  }
0x12: {  	s1 =	sld [smem:$0x3F9A];
	s0 =	simm.s32 @p0 $0x1  }
0x13: {  	[smem:$0x3FB5] =	sst s0;
	s0 =	simm.s32 @!p1 $0x0  }
0x14: {  	s2 =	sld [smem:$0x3F99];
	s0 =	simm.s32 @p1 $0x1  }
0x15: {  	[smem:$0x3FB6] =	sst s0;
	s0 =	simm.s32 @!p2 $0x0  }
0x16: {  	s3 =	sld [smem:$0x3FDB];
	s0 =	simm.s32 @p2 $0x1  }
0x17: {  	s4 =	simm.s32 $0x1BF5;
	[smem:$0x3FB8] =	sst s0  }
0x18: {  	s0 =	sld [smem:$0x3F9B];
	_ =	swait.ge [sflag:s4], $0x0  }
0x19: {  	s7 =	sld [smem:$0x3F9C]  }
0x1a: {  	s8 =	sadd.s32 $0xFFFFE003, lr  }
0x1b: {  	s9 =	sadd.s32 $0xFFFFFEF7, lr;
	s5 =	simm.s32 $0xFFFFFFFF;
	p2 =	slt.u32 s8, $0xFFFFF086  }
0x1c: {  	p1 =	slt.u32 s9, $0xF7A;
	s5 =	simm.s32 @!p2 $0x0  }
0x1d: {  	s5 =	simm.s32 @p1 $0x1;
	p0 =	seq.s32 s7, s2  }
0x1e: {  	s7 =	smul.u32 @!p0 $0xF7A, s2;
	p2 =	seq.s32 @!p0 s5, $0x0  }
0x1f: {  	s9 =	smul.u32 $0xF7A, s1;
	s8 =	simm.s32 @!p0 $0x1BF5;
	p2 =	por !p2, p0  }
0x20: {  	[sflag:s8] =	ssyncset.s32 @!p0 $0xFFFFF086;
	s6 =	sadd.s32 @!p0 s3, s7;
	s7 =	simm.s32 @!p0 $0x108  }
0x21: {  	s3 =	sadd.s32 s3, s9;
	s6 =	sadd.s32 @!p0 $0x88, s6;
	s7 =	simm.s32 @p2 $0x1082  }
0x22: {  	[simem:s7], [sflag:s8] =	dma.local @!p0 [hbm:s6], $0xF7A  }
0x23: {  	s9 =	sor.u32 $0xD0000000, s2;
	s6 =	simm.s32 $0x108;
	_ =	swait.ge @!p0 [sflag:s8], $0x0  }
0x24: {  	s3 =	sadd.s32 $0x88, s3;
	s6 =	simm.s32 @!p1 $0x1082;
	[sflag:s4] =	ssyncset.s32 $0xFFFFF086  }
0x25: {  	[simem:s6], [sflag:s4] =	dma.local [hbm:s3], $0xF7A  }
0x26: {  	[smem:$0x3F9C] =	sst s1;
	(tag) =	ssettag s2;
	_ =	strace s9  }
0x27: {  	s1 =	sld [smem:$0x3FAC]  }
0x28: {  	s2 =	sld [smem:$0x3FAD]  }
0x29: {  	s4 =	sld [smem:$0x3FAF]  }
0x2a: {  	p0 =	seq.s32 s5, $0x0;
	s5 =	sld [smem:$0x3FB0]  }
0x2b: {  	s6 =	sld [smem:$0x3FB1]  }
0x2c: {  	s7 =	sld [smem:$0x3FB2]  }
0x2d: {  	s3 =	simm.s32 $0x108;
	s8 =	sld [smem:$0x3FB3]  }
0x2e: {  	s3 =	simm.s32 @!p0 $0x1082;
	s9 =	sld [smem:$0x3FB4]  }
0x2f: {  	lr =	sadd.s32 s0, s3;
	s0 =	sld [smem:$0x3FAB]  }
0x30: {  	s3 =	sld [smem:$0x3FAE]  }
0x31: {  	[smem:$0x3FB7] =	sst s10  }
0x32: {  	s10 =	sld [smem:$0x3FB5];
	_ =	sdelay $0x3  }
0x33: {  	p0 =	seq.s32 s10, $0x1;
	s10 =	sld [smem:$0x3FB7];
	_ =	sdelay $0x3  }
0x34: {  	[smem:$0x3FB7] =	sst s10  }
0x35: {  	s10 =	sld [smem:$0x3FB6];
	_ =	sdelay $0x3  }
0x36: {  	p1 =	seq.s32 s10, $0x1;
	s10 =	sld [smem:$0x3FB7];
	_ =	sdelay $0x3  }
0x37: {  	[smem:$0x3FB7] =	sst s10  }
0x38: {  	s10 =	sld [smem:$0x3FB8]  }
0x39: {  	_ = 	snop;
	(pc) =	sbr.ind lr, $3  }
0x3a: {  	_ = 	snop  }
0x3b: {  	_ = 	snop  }
0x3c: {  	p2 =	seq.s32 s10, $0x1;
	s10 =	sld [smem:$0x3FB7]  }
0x3d: {  	_ =	shalt  }
0x3e: {  	_ =	shalt  }
0x3f: {  	_ =	shalt  }
0x40: {  	_ =	shalt  }
0x41: {  	_ =	shalt  }
0x42: {  	_ =	shalt  }
0x43: {  	_ =	shalt  }
0x44: {  	_ =	shalt  }
0x45: {  	_ =	shalt  }
0x46: {  	_ =	shalt  }
0x47: {  	_ =	shalt  }
0x48: {  	_ =	shalt  }
0x49: {  	_ =	shalt  }
0x4a: {  	_ =	shalt  }
0x4b: {  	_ =	shalt  }
0x4c: {  	_ =	shalt  }
0x4d: {  	_ =	shalt  }
0x4e: {  	_ =	shalt  }
0x4f: {  	_ =	shalt  }
0x50: {  	_ =	shalt  }
0x51: {  	_ =	shalt  }
0x52: {  	_ =	shalt  }
0x53: {  	_ =	shalt  }
0x54: {  	_ =	shalt  }
0x55: {  	_ =	shalt  }
0x56: {  	_ =	shalt  }
0x57: {  	_ =	shalt  }
0x58: {  	_ =	shalt  }
0x59: {  	_ =	shalt  }
0x5a: {  	_ =	shalt  }
0x5b: {  	_ =	shalt  }
0x5c: {  	_ =	shalt  }
0x5d: {  	_ =	shalt  }
0x5e: {  	_ =	shalt  }
0x5f: {  	_ =	shalt  }
0x60: {  	_ =	shalt  }
0x61: {  	_ =	shalt  }
0x62: {  	_ =	shalt  }
0x63: {  	_ =	shalt  }
0x64: {  	_ =	shalt  }
0x65: {  	_ =	shalt  }
0x66: {  	_ =	shalt  }
0x67: {  	_ =	shalt  }
0x68: {  	_ =	shalt  }
0x69: {  	_ =	shalt  }
0x6a: {  	_ =	shalt  }
0x6b: {  	_ =	shalt  }
0x6c: {  	_ =	shalt  }
0x6d: {  	_ =	shalt  }
0x6e: {  	_ =	shalt  }
0x6f: {  	_ =	shalt  }
0x70: {  	_ =	shalt  }
0x71: {  	_ =	shalt  }
0x72: {  	_ =	shalt  }
0x73: {  	_ =	shalt  }
0x74: {  	_ =	shalt  }
0x75: {  	_ =	shalt  }
0x76: {  	_ =	shalt  }
0x77: {  	_ =	shalt  }
0x78: {  	_ =	shalt  }
0x79: {  	_ =	shalt  }
0x7a: {  	_ =	shalt  }
0x7b: {  	_ =	shalt  }
0x7c: {  	_ =	shalt  }
0x7d: {  	_ =	shalt  }
0x7e: {  	_ =	shalt  }
0x7f: {  	_ =	shalt  }
0x80: {  	_ =	shalt  }
0x81: {  	_ =	shalt  }
0x82: {  	_ =	shalt  }
0x83: {  	_ =	shalt  }
0x84: {  	_ =	shalt  }
0x85: {  	_ =	shalt  }
0x86: {  	_ =	shalt  }
0x87: {  	_ =	shalt  }
.Lfunc_end0:
.L_simem_size_0:
called_computation_lowered:
.L_overlay_start_0:
0x88: {  	s2 =	sld [smem:$0x3FD9]  }
0x89: {  	s3 =	sld [smem:$0x3FFE];
	_ =	sdelay $0x1  }
0x8a: {  	s1 =	srdreg.scid  }
0x8b: {  	s0 =	sand.u32 $0x1, s1  }
0x8c: {  	s17 =	sshll.u32 s0, $0xA;
	s2 =	sadd.s32 s3, s2  }
0x8d: {  	s2 =	sadd.s32 s2, s17  }
0x8e: {  	[smem:$0x3FC3] =	sst s2  }
0x8f: {  	_ = 	snop  }
0x90: {  	s2 =	sld [smem:$0x3FC9]  }
0x91: {  	s18 =	sld [smem:$0x3FD0];
	(tm) =	ssettm $0x1  }
0x92: {  	s4 =	sld [smem:$0x3FFB];
	_ =	sdelay $0x3  }
0x93: {  	_ =	strace s4  }
0x94: {  	s4 =	sld [smem:$0x3FFC];
	_ =	sdelay $0x3  }
0x95: {  	_ =	strace s4  }
0x96: {  	s4 =	sld [smem:$0x3FFD];
	_ =	sdelay $0x3  }
0x97: {  	_ =	strace s4  }
0x98: {  	_ =	strace $0x8FFFFFFF  }
0x99: {  	s19 =	sld [smem:$0x3FDB];
	_ =	sdelay $0x1  }
0x9a: {  	s5 =	simm.s32 $_scs_section_size  }
0x9b: {  	s6 =	simm.s32 $_size__tile_overlayer_lowered;
	s7 =	simm.s32 $_tile_overlayer_lowered  }
0x9c: {  	s22 =	simm.s32 $0x1BFF;
	s21 =	sshll.u32 s7, $0x1;
	s4 =	sadd.s32 s5, s19  }
0x9d: {  	s8 =	simm.s32 $0x0;
	s20 =	sshll.u32 s6, $0x1;
	s6 =	sadd.s32 s21, s4  }
0x9e: {  	[timem:s8], [sflag:s22] =	dma.local [hbm:s6], s20  }
0x9f: {  	_ =	swait.ge [sflag:s22], s20  }
0xa0: {  	s5 =	ssub.s32 $0x0, s20;
	[sflag:s22] =	ssyncset.done $0x0  }
0xa1: {  	[sflag:s22] =	ssyncadd.s32 s5;
	_ =	sdelay $0x1  }
0xa2: {  	s23 =	simm.s32 $0x1B8B  }
0xa3: {  	_ =	swait.ge [sflag:s23], $0x1  }
0xa4: {  	[sflag:s23] =	ssyncset.done $0x0  }
0xa5: {  	s25 =	simm.s32 $0x1B8E;
	s24 =	sld [smem:$0x3FFE];
	[sflag:s23] =	ssyncadd.s32 $0xFFFFFFFF  }
0xa6: {  	s26 =	simm.s32 $execute0_lowered;
	[smem:$0x3FD2] =	sst s25  }
0xa7: {  	s6 =	sshll.u32 s26, $0x1;
	_ =	strace $0x80000046;
	[dreg:$0x1] =	wrdreg $0xFFFFFFFF  }
0xa8: {  	s28 =	simm.s32 $_size_execute0_lowered;
	s4 =	sadd.s32 s4, s6;
	[dreg:$0x0] =	wrdreg $0x0  }
0xa9: {  	s6 =	sshll.u32 s28, $0x1;
	[dreg:$0x2] =	wrdreg s4  }
0xaa: {  	[dreg:$0x3] =	wrdreg s6  }
0xab: {  	[dreg:$0x4] =	wrdreg $0xC0  }
0xac: {  	_ =	task [dreg:s8], $0x5FFFF  }
0xad: {  	[dreg:$0x1] =	wrdreg $0xFFFFFFFF  }
0xae: {  	[dreg:$0x0] =	wrdreg $0x60  }
0xaf: {  	[dreg:$0x2] =	wrdreg s2  }
0xb0: {  	[dreg:$0x3] =	wrdreg s18  }
0xb1: {  	[dreg:$0x4] =	wrdreg s24  }
0xb2: {  	[dreg:$0x5] =	wrdreg $0xB9800  }
0xb3: {  	[dreg:$0x6] =	wrdreg $0x9  }
0xb4: {  	_ =	task.clear_ibuf [dreg:s8], $0x7FFFF;
	_ =	strace $0x90000046  }
0xb5: {  	s29 =	simm.s32 $0x9;
	_ =	strace $0x80000048  }
0xb6: {  	_ =	swait.ge [sflag:s29], $0x1  }
0xb7: {  	[sflag:s29] =	ssyncadd.s32 $0xFFFFFFFF  }
0xb8: {  	_ =	strace $0x90000048  }
0xb9: {  	_ =	sfence  }
0xba: {  	s30 =	sld [smem:$0x0];
	_ =	sdelay $0x2  }
0xbb: {  	s31 =	sshll.u32 s1, $0xD;
	s1 =	sshrl.u32 s1, $0x2  }
0xbc: {  	s3 =	sand.u32 $0x4000, s31;
	s1 =	sadd.s32 s1, s30  }
0xbd: {  	s0 =	sor.u32 s3, s0;
	s1 =	sshll.u32 s1, $0x11  }
0xbe: {  	s0 =	sor.u32 s1, s0  }
0xbf: {  	s0 =	sadd.s32 $0x8F2B, s0  }
0xc0: {  	[sflag:s0] =	ssyncadd.remote.s32 $0x1  }
0xc1: {  	_ =	sfence.sel $0xFFFF  }
0xc2: {  	[dreg:$0x0] =	wrdreg $0xFFFFFFFF;
	(pc) =	sbr.abs _section_cstart, $3  }
0xc3: {  	[dreg:$0x1] =	wrdreg $0xFFFFFFFF  }
0xc4: {  	_ =	task.clear_ibuf [dreg:s8], $0x2FFFF;
	_ =	strace $0x9FFFFFFF  }
0xc5: {  	(tm) =	ssettm $0x7FFFFFFF  }
tec
execute0_lowered:
.L_overlay_start_1:
0x0: {  	(tag) =	ssettag $0x1  }
0x1: {  	s0 =	rddreg [dreg:$0x0]  }
0x2: {  	s1 =	rddreg [dreg:$0x1]  }
0x3: {  	s3 =	rddreg [dreg:$0x2]  }
0x4: {  	s2 =	srdreg.scid;
	s4 =	rddreg [dreg:$0x3]  }
0x5: {  	s14 =	stileid.u32;
	s5 =	simm.s32 $0x0;
	s15 =	simm.s32 $0x1  }
0x6: {  	s28 =	simm.s32 $0x9180;
	s29 =	simm.s32 $0x1000;
	s30 =	simm.s32 $0x1080  }
0x7: {  	s31 =	simm.s32 $0x1100;
	s11 =	sand.u32 $0x1, s2;
	s8 =	smul.u32 $0x2800, s14  }
0x8: {  	[smem:$0x7FF] =	sst s5;
	s7 =	sshll.u32 s14, $0x7;
	s13 =	smul.u32 $0x50000, s14  }
0x9: {  	s24 =	sand.u32 $0x3, s14;
	s2 =	sshll.u32 s11, $0x4;
	s9 =	smul.u32 $0x28000, s11  }
0xa: {  	_ =	strace $0x80000047;
	s12 =	sand.u32 $0x380, s7;
	s7 =	sadd.s32 $0x1C00, s3  }
0xb: {  	s25 =	ssub.s32 $0x2, s11;
	p1 =	sne.s32 s24, $0x0;
	s2 =	sor.u32 s14, s2  }
0xc: {  	s11 =	smul.u32 $0x500, s11;
	s26 =	sshrl.u32 s25, $0x1;
	s6 =	sshrl.u32 s2, $0x3  }
0xd: {  	s8 =	sadd.s32 s8, s9;
	p0 =	seq.s32 s2, $0x0;
	s18 =	smul.u32 $0x50, s2  }
0xe: {  	s19 =	ssub.s32 s25, s26;
	s10 =	smul.u32 $0x14000, s6;
	s6 =	sadd.s32 $0x1E00, s3  }
0xf: {  	s17 =	sadd.s32 s8, s3;
	p0 =	por !p1, !p0;
	s8 =	simm.s32 $0x1  }
0x10: {  	s19 =	smax.u32 s19, $0x1;
	p0 =	por !p0, !p0;
	s17 =	sadd.s32 $0x2000, s17  }
0x11: {  	s22 =	sor.u32 s12, s10;
	s12 =	sshrl.u32 s2, $0x2;
	s15 =	simm.s32 @!p0 $0x0  }
0x12: {  	p0 =	seq.s32 s24, $0x3;
	s10 =	sshrl.u32 s13, $0x2;
	s24 =	sshll.u32 s2, $0x1  }
0x13: {  	s23 =	sshrl.u32 s22, $0x3;
	s16 =	ssub.s32 s15, s12;
	s10 =	sadd.s32 s10, s4  }
0x14: {  	s15 =	sshll.u32 s15, $0x3;
	s3 =	sadd.s32 s23, s3;
	s20 =	sadd.s32 $0x4000, s10  }
0x15: {  	s9 =	sshll.u32 s16, $0x3;
	s21 =	sadd.s32 $0x8000, s10;
	[dreg:$0x5] =	wrdreg s20  }
0x16: {  	s22 =	sadd.s32 $0xC000, s10;
	s23 =	sadd.s32 $0x10000, s10;
	[dreg:$0x6] =	wrdreg s21  }
0x17: {  	s13 =	sadd.s32 s18, s9;
	s9 =	simm.s32 $0x9;
	[dreg:$0x7] =	wrdreg s22  }
0x18: {  	s18 =	smul.u32 $0x50, s14;
	[dreg:$0x8] =	wrdreg s23;
	s21 =	simm.s32 $0x1180  }
0x19: {  	s22 =	simm.s32 $0x3;
	s23 =	simm.s32 $0x0;
	s16 =	sshll.u32 s13, $0x4  }
0x1a: {  	s9 =	simm.s32 @!p0 $0xA;
	p0 =	sne.s32 s2, $0x3;
	s20 =	sand.u32 $0x1FFFFF80, s16  }
.Ltmp0:
0x1b: {  	s11 =	sadd.s32 s18, s11;
	s18 =	sand.u32 $0x38, s24;
	(pc) =	sbr.rel .LBB2_1-.Ltmp0, $4  }
0x1c: {  	s25 =	sadd.s32 s1, s16;
	s24 =	simm.s32 $0x2;
	s11 =	sor.u32 s15, s11  }
0x1d: {  	s20 =	sadd.s32 s1, s20;
	[dreg:$0x9] =	wrdreg s25;
	s11 =	ssub.s32 s11, s18  }
0x1e: {  	s25 =	simm.s32 $0x80;
	s16 =	sadd.s32 $0x9C80, s20;
	s26 =	sshll.u32 s11, $0x7  }
0x1f: {  	v0 =	vimm.f32 $0.0e+00;
	v1 =	vimm.f32 $1.000000000e+00;
	s18 =	sadd.s32 $0x52000, s3;
	s3 =	sadd.s32 $0x4E800, s26;
	s26 =	simm.s32 $0x5180  }
.LBB2_9:
0x20: {  	s2 =	stileid.u32  }
0x21: {  	s2 =	sshll.u32 s2, $0x6  }
0x22: {  	[bflag:$0x0] =	sbarrier.arrive $0xFFFF;
	s11 =	sshrl.u32 s10, $0x3;
	s2 =	sor.u32 $0x1C03, s2  }
0x23: {  	[hbm:s17], [sflag:s2] =	dma.local [spmem:s11], $0x2800  }
0x24: {  	s23 =	sadd.s32 $0x1, s23;
	_ =	swait.ge [sflag:s22], $0x2800  }
0x25: {  	p1 =	sne.s32 s23, s19;
	[sflag:s22] =	ssyncset.done $0x0  }
.Ltmp1:
0x26: {  	s20 =	simm.s32 $0x400;
	[sflag:s22] =	ssyncadd.s32 $0xFFFFD800;
	(pc) =	sbr.rel @!p1 .LBB2_10-.Ltmp1, $4  }
0x27: {  	[hbm4b:s18+s25] =	stream.strided.scatter [tilespmem:s28], [sflag:$0x3], $0x2800, s20, s25, $0x38;
	[tilespmem:$0x1F980] =	vst v63  }
0x28: {  	_ =	swait.ge [sflag:s22], $0x2800  }
0x29: {  	[sflag:s22] =	ssyncset.done $0x0  }
0x2a: {  	[sflag:s22] =	ssyncadd.s32 $0xFFFFD800  }
.LBB2_1:
0x2b: {  	s2 =	simm.s32 $0x0;
	s11 =	simm.s32 $0x200  }
.LBB2_2:
0x2c: {  	p1 =	sne.s32 s11, $0xFE00;
	[tilespmem:s2+$0x11F0] =	vst v0  }
0x2d: {  	[tilespmem:s2+$0x1180] =	vst v0  }
0x2e: {  	[tilespmem:s2+$0x1190] =	vst v0  }
.Ltmp2:
0x2f: {  	[tilespmem:s2+$0x11A0] =	vst v0;
	(pc) =	sbr.rel @p1 .LBB2_2-.Ltmp2, $4  }
0x30: {  	[tilespmem:s2+$0x11B0] =	vst v0  }
0x31: {  	[tilespmem:s2+$0x11C0] =	vst v0  }
0x32: {  	[tilespmem:s2+$0x11D0] =	vst v0  }
0x33: {  	[tilespmem:s2+$0x11E0] =	vst v0;
	s2 =	sshra.s32 s11, $0x2;
	s11 =	sadd.s32 $0x200, s11  }
0x34: {  	[tilespmem:s2+$0x11F0] =	vst v0  }
0x35: {  	[tilespmem:s2+$0x1180] =	vst v0  }
0x36: {  	[tilespmem:s2+$0x1190] =	vst v0  }
0x37: {  	[tilespmem:s2+$0x11A0] =	vst v0  }
0x38: {  	[tilespmem:s2+$0x11B0] =	vst v0  }
0x39: {  	[tilespmem:s2+$0x11C0] =	vst v0  }
0x3a: {  	[tilespmem:s2+$0x11D0] =	vst v0  }
0x3b: {  	[tilespmem:s2+$0x11E0] =	vst v0  }
0x3c: {  	[spmem:s10] =	stream.linear.scatter [tilespmem:s21], [sflag:$0x2], $0x4000, $0x38;
	[tilespmem:$0x1F980] =	vst v63  }
0x3d: {  	s13 =	rddreg [dreg:$0x5]  }
0x3e: {  	[spmem:s13] =	stream.linear.scatter [tilespmem:s21], [sflag:$0x2], $0x4000, $0x38;
	[tilespmem:$0x1F980] =	vst v63  }
0x3f: {  	s14 =	rddreg [dreg:$0x6]  }
0x40: {  	[spmem:s14] =	stream.linear.scatter [tilespmem:s21], [sflag:$0x2], $0x4000, $0x38;
	[tilespmem:$0x1F980] =	vst v63  }
0x41: {  	s15 =	rddreg [dreg:$0x7]  }
0x42: {  	[spmem:s15] =	stream.linear.scatter [tilespmem:s21], [sflag:$0x2], $0x4000, $0x38;
	[tilespmem:$0x1F980] =	vst v63  }
0x43: {  	s20 =	rddreg [dreg:$0x8];
	s2 =	simm.s32 $0x40;
	s11 =	simm.s32 $0x0  }
0x44: {  	[spmem:s20] =	stream.linear.scatter [tilespmem:s21], [sflag:$0x2], $0x4000, $0x38;
	[tilespmem:$0x1F980] =	vst v63  }
.LBB2_4:
0x45: {  	p1 =	sne.s32 s2, $0x9FC0;
	[tilespmem:s11+$0x9180] =	vst v0;
	s11 =	smov.u32 s2;
	s2 =	sadd.s32 $0x40, s2  }
.Ltmp3:
0x46: {  	(pc) =	sbr.rel @p1 .LBB2_4-.Ltmp3, $2  }
0x47: {  	_ =	sdelay $0x2  }
0x48: {  	s11 =	sshra.s32 s11, $0x2  }
0x49: {  	[tilespmem:s11+$0x9180] =	vst v0;
	s2 =	simm.s32 $0x0;
	s15 =	rddreg [dreg:$0x9]  }
0x4a: {  	[tilespmem:s2], [sflag:$0x3] =	stream.linear.gather [hbm4b:s15+s2], $0x400, $0x38;
	[tilespmem:$0x1F980] =	vst v63  }
0x4b: {  	_ =	swait.ge [sflag:s22], $0x400  }
0x4c: {  	[sflag:s22] =	ssyncset.done $0x0  }
0x4d: {  	s20 =	simm.s32 $0x800;
	[sflag:s22] =	ssyncadd.s32 $0xFFFFFC00  }
0x4e: {  	[tilespmem:s20], [sflag:$0x3] =	stream.linear.gather [hbm4b:s16+s2], $0x400, $0x38;
	[tilespmem:$0x1F980] =	vst v63  }
0x4f: {  	_ =	swait.ge [sflag:s22], $0x400  }
0x50: {  	[sflag:s22] =	ssyncset.done $0x0  }
0x51: {  	[sflag:s22] =	ssyncadd.s32 $0xFFFFFC00  }
0x52: {  	_ =	swait.ge [sflag:s24], $0x4000  }
0x53: {  	[sflag:s24] =	ssyncset.done $0x0  }
0x54: {  	[sflag:s24] =	ssyncadd.s32 $0xFFFFC000  }
0x55: {  	_ =	swait.ge [sflag:s24], $0x4000  }
0x56: {  	[sflag:s24] =	ssyncset.done $0x0  }
0x57: {  	[sflag:s24] =	ssyncadd.s32 $0xFFFFC000  }
0x58: {  	_ =	swait.ge [sflag:s24], $0x4000  }
0x59: {  	[sflag:s24] =	ssyncset.done $0x0  }
0x5a: {  	[sflag:s24] =	ssyncadd.s32 $0xFFFFC000  }
0x5b: {  	_ =	swait.ge [sflag:s24], $0x4000  }
0x5c: {  	[sflag:s24] =	ssyncset.done $0x0  }
0x5d: {  	[sflag:s24] =	ssyncadd.s32 $0xFFFFC000  }
0x5e: {  	_ =	swait.ge [sflag:s24], $0x4000  }
0x5f: {  	[sflag:s24] =	ssyncset.done $0x0  }
0x60: {  	[sflag:s24] =	ssyncadd.s32 $0xFFFFC000  }
0x61: {  	s20 =	smov.u32 s3;
	[bflag:$0x0] =	sbarrier.arrive $0xFFFF  }
.LBB2_6:
0x62: {  	s11 =	sand.u32 $0x1, s2;
	s2 =	sadd.s32 $0x1, s2  }
0x63: {  	p1 =	sge.u32 s2, s9  }
0x64: {  	s12 =	sadd.s32 @!p1 $0xFFFB1C00, s20  }
0x65: {  	s13 =	sshll.u32 @!p1 s11, $0xA;
	s12 =	sshrl.u32 @!p1 s12, $0x3  }
0x66: {  	s15 =	simm.s32 @!p1 $0x0;
	s14 =	sxor.u32 @!p1 $0x400, s13;
	s12 =	sadd.s32 @!p1 s1, s12  }
0x67: {  	[tilespmem:s14], [sflag:$0x2] =	stream.linear.gather @!p1 [hbm4b:s12+s15], $0x400, $0x38;
	[tilespmem:$0x1F980] =	vst v63  }
0x68: {  	s12 =	sshrl.u32 @!p1 s20, $0x3  }
0x69: {  	s13 =	sxor.u32 @!p1 $0xC00, s13;
	s12 =	sadd.s32 @!p1 s1, s12  }
0x6a: {  	[tilespmem:s13], [sflag:$0x2] =	stream.linear.gather @!p1 [hbm4b:s12+s15], $0x400, $0x38;
	[tilespmem:$0x1F980] =	vst v63  }
0x6b: {  	s11 =	sshll.u32 s11, $0xA  }
0x6c: {  	[tilespmem:s21], [sflag:$0x1] =	stream.indirect.gather [hbm4b:s0+s25], $0x80, s11, s25, $0xb8;
	[tilespmem:$0x1F980] =	vst v63  }
0x6d: {  	s14 =	sor.u32 $0x80, s11  }
0x6e: {  	[tilespmem:s26], [sflag:$0x1] =	stream.indirect.gather [hbm4b:s0+s25], $0x80, s14, s25, $0xb8;
	[tilespmem:$0x1F980] =	vst v63  }
0x6f: {  	_ =	swait.ge [sflag:s8], $0x4000  }
0x70: {  	[sflag:s8] =	ssyncset.done $0x0  }
0x71: {  	[sflag:s8] =	ssyncadd.s32 $0xFFFFC000  }
0x72: {  	v2 =	vld [tilespmem:s11+$0x800];
	_ =	sdelay $0x7  }
0x73: {  	[tilespmem:v2+s28+$0x0] =	vst.idx.add.f32.msk $0xffff, v1  }
0x74: {  	v2 =	vld [tilespmem:s11+$0x810];
	_ =	sdelay $0x7  }
0x75: {  	[tilespmem:v2+s28+$0x0] =	vst.idx.add.f32.msk $0xffff, v1  }
0x76: {  	v2 =	vld [tilespmem:s11+$0x820];
	_ =	sdelay $0x7  }
0x77: {  	[tilespmem:v2+s28+$0x0] =	vst.idx.add.f32.msk $0xffff, v1  }
0x78: {  	v2 =	vld [tilespmem:s11+$0x830];
	_ =	sdelay $0x7  }
0x79: {  	[tilespmem:v2+s28+$0x0] =	vst.idx.add.f32.msk $0xffff, v1  }
0x7a: {  	v2 =	vld [tilespmem:s11+$0x840];
	_ =	sdelay $0x7  }
0x7b: {  	[tilespmem:v2+s28+$0x0] =	vst.idx.add.f32.msk $0xffff, v1  }
0x7c: {  	v2 =	vld [tilespmem:s11+$0x850];
	_ =	sdelay $0x7  }
0x7d: {  	[tilespmem:v2+s28+$0x0] =	vst.idx.add.f32.msk $0xffff, v1  }
0x7e: {  	v2 =	vld [tilespmem:s11+$0x860];
	_ =	sdelay $0x7  }
0x7f: {  	[tilespmem:v2+s28+$0x0] =	vst.idx.add.f32.msk $0xffff, v1  }
0x80: {  	v2 =	vld [tilespmem:s11+$0x870];
	_ =	sdelay $0x7  }
0x81: {  	s15 =	sor.u32 $0x800, s11;
	[tilespmem:v2+s28+$0x0] =	vst.idx.add.f32.msk $0xffff, v1  }
0x82: {  	[spmem:s4] =	stream.indirect.scatter.add.f32 [tilespmem:s21], [sflag:$0x3], $0x80, s15, s25, $0xb8;
	[tilespmem:$0x1F980] =	vst v63  }
0x83: {  	_ =	swait.ge [sflag:s22], $0x4000  }
0x84: {  	[sflag:s22] =	ssyncset.done $0x0  }
0x85: {  	s13 =	sor.u32 $0x100, s11;
	[sflag:s22] =	ssyncadd.s32 $0xFFFFC000  }
0x86: {  	[tilespmem:s21], [sflag:$0x1] =	stream.indirect.gather [hbm4b:s0+s25], $0x80, s13, s25, $0xb8;
	[tilespmem:$0x1F980] =	vst v63  }
0x87: {  	_ =	swait.ge [sflag:s8], $0x4000  }
0x88: {  	[sflag:s8] =	ssyncset.done $0x0  }
0x89: {  	[sflag:s8] =	ssyncadd.s32 $0xFFFFC000  }
0x8a: {  	v2 =	vld [tilespmem:s11+$0x880];
	_ =	sdelay $0x7  }
0x8b: {  	[tilespmem:v2+s28+$0x0] =	vst.idx.add.f32.msk $0xffff, v1  }
0x8c: {  	v2 =	vld [tilespmem:s11+$0x890];
	_ =	sdelay $0x7  }
0x8d: {  	[tilespmem:v2+s28+$0x0] =	vst.idx.add.f32.msk $0xffff, v1  }
0x8e: {  	v2 =	vld [tilespmem:s11+$0x8A0];
	_ =	sdelay $0x7  }
0x8f: {  	[tilespmem:v2+s28+$0x0] =	vst.idx.add.f32.msk $0xffff, v1  }
0x90: {  	v2 =	vld [tilespmem:s11+$0x8B0];
	_ =	sdelay $0x7  }
0x91: {  	[tilespmem:v2+s28+$0x0] =	vst.idx.add.f32.msk $0xffff, v1  }
0x92: {  	v2 =	vld [tilespmem:s11+$0x8C0];
	_ =	sdelay $0x7  }
0x93: {  	[tilespmem:v2+s28+$0x0] =	vst.idx.add.f32.msk $0xffff, v1  }
0x94: {  	v2 =	vld [tilespmem:s11+$0x8D0];
	_ =	sdelay $0x7  }
0x95: {  	[tilespmem:v2+s28+$0x0] =	vst.idx.add.f32.msk $0xffff, v1  }
0x96: {  	v2 =	vld [tilespmem:s11+$0x8E0];
	_ =	sdelay $0x7  }
0x97: {  	[tilespmem:v2+s28+$0x0] =	vst.idx.add.f32.msk $0xffff, v1  }
0x98: {  	v2 =	vld [tilespmem:s11+$0x8F0];
	_ =	sdelay $0x7  }
0x99: {  	s14 =	sor.u32 $0x880, s11;
	[tilespmem:v2+s28+$0x0] =	vst.idx.add.f32.msk $0xffff, v1  }
0x9a: {  	[spmem:s4] =	stream.indirect.scatter.add.f32 [tilespmem:s26], [sflag:$0x3], $0x80, s14, s25, $0xb8;
	[tilespmem:$0x1F980] =	vst v63  }
0x9b: {  	_ =	swait.ge [sflag:s22], $0x4000  }
0x9c: {  	[sflag:s22] =	ssyncset.done $0x0  }
0x9d: {  	s15 =	sor.u32 $0x180, s11;
	[sflag:s22] =	ssyncadd.s32 $0xFFFFC000  }
0x9e: {  	[tilespmem:s26], [sflag:$0x1] =	stream.indirect.gather [hbm4b:s0+s25], $0x80, s15, s25, $0xb8;
	[tilespmem:$0x1F980] =	vst v63  }
0x9f: {  	_ =	swait.ge [sflag:s8], $0x4000  }
0xa0: {  	[sflag:s8] =	ssyncset.done $0x0  }
0xa1: {  	[sflag:s8] =	ssyncadd.s32 $0xFFFFC000  }
0xa2: {  	v2 =	vld [tilespmem:s11+$0x900];
	_ =	sdelay $0x7  }
0xa3: {  	[tilespmem:v2+s28+$0x0] =	vst.idx.add.f32.msk $0xffff, v1  }
0xa4: {  	v2 =	vld [tilespmem:s11+$0x910];
	_ =	sdelay $0x7  }
0xa5: {  	[tilespmem:v2+s28+$0x0] =	vst.idx.add.f32.msk $0xffff, v1  }
0xa6: {  	v2 =	vld [tilespmem:s11+$0x920];
	_ =	sdelay $0x7  }
0xa7: {  	[tilespmem:v2+s28+$0x0] =	vst.idx.add.f32.msk $0xffff, v1  }
0xa8: {  	v2 =	vld [tilespmem:s11+$0x930];
	_ =	sdelay $0x7  }
0xa9: {  	[tilespmem:v2+s28+$0x0] =	vst.idx.add.f32.msk $0xffff, v1  }
0xaa: {  	v2 =	vld [tilespmem:s11+$0x940];
	_ =	sdelay $0x7  }
0xab: {  	[tilespmem:v2+s28+$0x0] =	vst.idx.add.f32.msk $0xffff, v1  }
0xac: {  	v2 =	vld [tilespmem:s11+$0x950];
	_ =	sdelay $0x7  }
0xad: {  	[tilespmem:v2+s28+$0x0] =	vst.idx.add.f32.msk $0xffff, v1  }
0xae: {  	v2 =	vld [tilespmem:s11+$0x960];
	_ =	sdelay $0x7  }
0xaf: {  	[tilespmem:v2+s28+$0x0] =	vst.idx.add.f32.msk $0xffff, v1  }
0xb0: {  	v2 =	vld [tilespmem:s11+$0x970];
	_ =	sdelay $0x7  }
0xb1: {  	s13 =	sor.u32 $0x900, s11;
	[tilespmem:v2+s28+$0x0] =	vst.idx.add.f32.msk $0xffff, v1  }
0xb2: {  	[spmem:s4] =	stream.indirect.scatter.add.f32 [tilespmem:s21], [sflag:$0x3], $0x80, s13, s25, $0xb8;
	[tilespmem:$0x1F980] =	vst v63  }
0xb3: {  	_ =	swait.ge [sflag:s22], $0x4000  }
0xb4: {  	[sflag:s22] =	ssyncset.done $0x0  }
0xb5: {  	s14 =	sor.u32 $0x200, s11;
	[sflag:s22] =	ssyncadd.s32 $0xFFFFC000  }
0xb6: {  	[tilespmem:s21], [sflag:$0x1] =	stream.indirect.gather [hbm4b:s0+s25], $0x80, s14, s25, $0xb8;
	[tilespmem:$0x1F980] =	vst v63  }
0xb7: {  	_ =	swait.ge [sflag:s8], $0x4000  }
0xb8: {  	[sflag:s8] =	ssyncset.done $0x0  }
0xb9: {  	[sflag:s8] =	ssyncadd.s32 $0xFFFFC000  }
0xba: {  	v2 =	vld [tilespmem:s11+$0x980];
	_ =	sdelay $0x7  }
0xbb: {  	[tilespmem:v2+s28+$0x0] =	vst.idx.add.f32.msk $0xffff, v1  }
0xbc: {  	v2 =	vld [tilespmem:s11+$0x990];
	_ =	sdelay $0x7  }
0xbd: {  	[tilespmem:v2+s28+$0x0] =	vst.idx.add.f32.msk $0xffff, v1  }
0xbe: {  	v2 =	vld [tilespmem:s11+$0x9A0];
	_ =	sdelay $0x7  }
0xbf: {  	[tilespmem:v2+s28+$0x0] =	vst.idx.add.f32.msk $0xffff, v1  }
0xc0: {  	v2 =	vld [tilespmem:s11+$0x9B0];
	_ =	sdelay $0x7  }
0xc1: {  	[tilespmem:v2+s28+$0x0] =	vst.idx.add.f32.msk $0xffff, v1  }
0xc2: {  	v2 =	vld [tilespmem:s11+$0x9C0];
	_ =	sdelay $0x7  }
0xc3: {  	[tilespmem:v2+s28+$0x0] =	vst.idx.add.f32.msk $0xffff, v1  }
0xc4: {  	v2 =	vld [tilespmem:s11+$0x9D0];
	_ =	sdelay $0x7  }
0xc5: {  	[tilespmem:v2+s28+$0x0] =	vst.idx.add.f32.msk $0xffff, v1  }
0xc6: {  	v2 =	vld [tilespmem:s11+$0x9E0];
	_ =	sdelay $0x7  }
0xc7: {  	[tilespmem:v2+s28+$0x0] =	vst.idx.add.f32.msk $0xffff, v1  }
0xc8: {  	v2 =	vld [tilespmem:s11+$0x9F0];
	_ =	sdelay $0x7  }
0xc9: {  	s15 =	sor.u32 $0x980, s11;
	[tilespmem:v2+s28+$0x0] =	vst.idx.add.f32.msk $0xffff, v1  }
0xca: {  	[spmem:s4] =	stream.indirect.scatter.add.f32 [tilespmem:s26], [sflag:$0x3], $0x80, s15, s25, $0xb8;
	[tilespmem:$0x1F980] =	vst v63  }
0xcb: {  	_ =	swait.ge [sflag:s22], $0x4000  }
0xcc: {  	[sflag:s22] =	ssyncset.done $0x0  }
0xcd: {  	s13 =	sor.u32 $0x280, s11;
	[sflag:s22] =	ssyncadd.s32 $0xFFFFC000  }
0xce: {  	[tilespmem:s26], [sflag:$0x1] =	stream.indirect.gather [hbm4b:s0+s25], $0x80, s13, s25, $0xb8;
	[tilespmem:$0x1F980] =	vst v63  }
0xcf: {  	_ =	swait.ge [sflag:s8], $0x4000  }
0xd0: {  	[sflag:s8] =	ssyncset.done $0x0  }
0xd1: {  	[sflag:s8] =	ssyncadd.s32 $0xFFFFC000  }
0xd2: {  	v2 =	vld [tilespmem:s11+$0xA00];
	_ =	sdelay $0x7  }
0xd3: {  	[tilespmem:v2+s28+$0x0] =	vst.idx.add.f32.msk $0xffff, v1  }
0xd4: {  	v2 =	vld [tilespmem:s11+$0xA10];
	_ =	sdelay $0x7  }
0xd5: {  	[tilespmem:v2+s28+$0x0] =	vst.idx.add.f32.msk $0xffff, v1  }
0xd6: {  	v2 =	vld [tilespmem:s11+$0xA20];
	_ =	sdelay $0x7  }
0xd7: {  	[tilespmem:v2+s28+$0x0] =	vst.idx.add.f32.msk $0xffff, v1  }
0xd8: {  	v2 =	vld [tilespmem:s11+$0xA30];
	_ =	sdelay $0x7  }
0xd9: {  	[tilespmem:v2+s28+$0x0] =	vst.idx.add.f32.msk $0xffff, v1  }
0xda: {  	v2 =	vld [tilespmem:s11+$0xA40];
	_ =	sdelay $0x7  }
0xdb: {  	[tilespmem:v2+s28+$0x0] =	vst.idx.add.f32.msk $0xffff, v1  }
0xdc: {  	v2 =	vld [tilespmem:s11+$0xA50];
	_ =	sdelay $0x7  }
0xdd: {  	[tilespmem:v2+s28+$0x0] =	vst.idx.add.f32.msk $0xffff, v1  }
0xde: {  	v2 =	vld [tilespmem:s11+$0xA60];
	_ =	sdelay $0x7  }
0xdf: {  	[tilespmem:v2+s28+$0x0] =	vst.idx.add.f32.msk $0xffff, v1  }
0xe0: {  	v2 =	vld [tilespmem:s11+$0xA70];
	_ =	sdelay $0x7  }
0xe1: {  	s14 =	sor.u32 $0xA00, s11;
	[tilespmem:v2+s28+$0x0] =	vst.idx.add.f32.msk $0xffff, v1  }
0xe2: {  	[spmem:s4] =	stream.indirect.scatter.add.f32 [tilespmem:s21], [sflag:$0x3], $0x80, s14, s25, $0xb8;
	[tilespmem:$0x1F980] =	vst v63  }
0xe3: {  	_ =	swait.ge [sflag:s22], $0x4000  }
0xe4: {  	[sflag:s22] =	ssyncset.done $0x0  }
0xe5: {  	s15 =	sor.u32 $0x300, s11;
	[sflag:s22] =	ssyncadd.s32 $0xFFFFC000  }
0xe6: {  	[tilespmem:s21], [sflag:$0x1] =	stream.indirect.gather [hbm4b:s0+s25], $0x80, s15, s25, $0xb8;
	[tilespmem:$0x1F980] =	vst v63  }
0xe7: {  	_ =	swait.ge [sflag:s8], $0x4000  }
0xe8: {  	[sflag:s8] =	ssyncset.done $0x0  }
0xe9: {  	[sflag:s8] =	ssyncadd.s32 $0xFFFFC000  }
0xea: {  	v2 =	vld [tilespmem:s11+$0xA80];
	_ =	sdelay $0x7  }
0xeb: {  	[tilespmem:v2+s28+$0x0] =	vst.idx.add.f32.msk $0xffff, v1  }
0xec: {  	v2 =	vld [tilespmem:s11+$0xA90];
	_ =	sdelay $0x7  }
0xed: {  	[tilespmem:v2+s28+$0x0] =	vst.idx.add.f32.msk $0xffff, v1  }
0xee: {  	v2 =	vld [tilespmem:s11+$0xAA0];
	_ =	sdelay $0x7  }
0xef: {  	[tilespmem:v2+s28+$0x0] =	vst.idx.add.f32.msk $0xffff, v1  }
0xf0: {  	v2 =	vld [tilespmem:s11+$0xAB0];
	_ =	sdelay $0x7  }
0xf1: {  	[tilespmem:v2+s28+$0x0] =	vst.idx.add.f32.msk $0xffff, v1  }
0xf2: {  	v2 =	vld [tilespmem:s11+$0xAC0];
	_ =	sdelay $0x7  }
0xf3: {  	[tilespmem:v2+s28+$0x0] =	vst.idx.add.f32.msk $0xffff, v1  }
0xf4: {  	v2 =	vld [tilespmem:s11+$0xAD0];
	_ =	sdelay $0x7  }
0xf5: {  	[tilespmem:v2+s28+$0x0] =	vst.idx.add.f32.msk $0xffff, v1  }
0xf6: {  	v2 =	vld [tilespmem:s11+$0xAE0];
	_ =	sdelay $0x7  }
0xf7: {  	[tilespmem:v2+s28+$0x0] =	vst.idx.add.f32.msk $0xffff, v1  }
0xf8: {  	v2 =	vld [tilespmem:s11+$0xAF0];
	_ =	sdelay $0x7  }
0xf9: {  	s13 =	sor.u32 $0xA80, s11;
	[tilespmem:v2+s28+$0x0] =	vst.idx.add.f32.msk $0xffff, v1  }
0xfa: {  	[spmem:s4] =	stream.indirect.scatter.add.f32 [tilespmem:s26], [sflag:$0x3], $0x80, s13, s25, $0xb8;
	[tilespmem:$0x1F980] =	vst v63  }
0xfb: {  	_ =	swait.ge [sflag:s22], $0x4000  }
0xfc: {  	[sflag:s22] =	ssyncset.done $0x0  }
0xfd: {  	s14 =	sor.u32 $0x380, s11;
	[sflag:s22] =	ssyncadd.s32 $0xFFFFC000  }
0xfe: {  	[tilespmem:s26], [sflag:$0x1] =	stream.indirect.gather [hbm4b:s0+s25], $0x80, s14, s25, $0xb8;
	[tilespmem:$0x1F980] =	vst v63  }
0xff: {  	_ =	swait.ge [sflag:s8], $0x4000  }
0x100: {  	[sflag:s8] =	ssyncset.done $0x0  }
0x101: {  	[sflag:s8] =	ssyncadd.s32 $0xFFFFC000  }
0x102: {  	v2 =	vld [tilespmem:s11+$0xB00];
	_ =	sdelay $0x7  }
0x103: {  	[tilespmem:v2+s28+$0x0] =	vst.idx.add.f32.msk $0xffff, v1  }
0x104: {  	v2 =	vld [tilespmem:s11+$0xB10];
	_ =	sdelay $0x7  }
0x105: {  	[tilespmem:v2+s28+$0x0] =	vst.idx.add.f32.msk $0xffff, v1  }
0x106: {  	v2 =	vld [tilespmem:s11+$0xB20];
	_ =	sdelay $0x7  }
0x107: {  	[tilespmem:v2+s28+$0x0] =	vst.idx.add.f32.msk $0xffff, v1  }
0x108: {  	v2 =	vld [tilespmem:s11+$0xB30];
	_ =	sdelay $0x7  }
0x109: {  	[tilespmem:v2+s28+$0x0] =	vst.idx.add.f32.msk $0xffff, v1  }
0x10a: {  	v2 =	vld [tilespmem:s11+$0xB40];
	_ =	sdelay $0x7  }
0x10b: {  	[tilespmem:v2+s28+$0x0] =	vst.idx.add.f32.msk $0xffff, v1  }
0x10c: {  	v2 =	vld [tilespmem:s11+$0xB50];
	_ =	sdelay $0x7  }
0x10d: {  	[tilespmem:v2+s28+$0x0] =	vst.idx.add.f32.msk $0xffff, v1  }
0x10e: {  	v2 =	vld [tilespmem:s11+$0xB60];
	_ =	sdelay $0x7  }
0x10f: {  	[tilespmem:v2+s28+$0x0] =	vst.idx.add.f32.msk $0xffff, v1  }
0x110: {  	v2 =	vld [tilespmem:s11+$0xB70];
	_ =	sdelay $0x7  }
0x111: {  	s15 =	sor.u32 $0xB00, s11;
	[tilespmem:v2+s28+$0x0] =	vst.idx.add.f32.msk $0xffff, v1  }
0x112: {  	[spmem:s4] =	stream.indirect.scatter.add.f32 [tilespmem:s21], [sflag:$0x3], $0x80, s15, s25, $0xb8;
	[tilespmem:$0x1F980] =	vst v63  }
0x113: {  	_ =	swait.ge [sflag:s22], $0x4000  }
0x114: {  	[sflag:s22] =	ssyncset.done $0x0  }
0x115: {  	[sflag:s22] =	ssyncadd.s32 $0xFFFFC000  }
0x116: {  	_ =	swait.ge [sflag:s8], $0x4000  }
0x117: {  	[sflag:s8] =	ssyncset.done $0x0  }
0x118: {  	[sflag:s8] =	ssyncadd.s32 $0xFFFFC000  }
0x119: {  	v2 =	vld [tilespmem:s11+$0xB80];
	_ =	sdelay $0x7  }
0x11a: {  	[tilespmem:v2+s28+$0x0] =	vst.idx.add.f32.msk $0xffff, v1  }
0x11b: {  	v2 =	vld [tilespmem:s11+$0xB90];
	_ =	sdelay $0x7  }
0x11c: {  	[tilespmem:v2+s28+$0x0] =	vst.idx.add.f32.msk $0xffff, v1  }
0x11d: {  	v2 =	vld [tilespmem:s11+$0xBA0];
	_ =	sdelay $0x7  }
0x11e: {  	[tilespmem:v2+s28+$0x0] =	vst.idx.add.f32.msk $0xffff, v1  }
0x11f: {  	v2 =	vld [tilespmem:s11+$0xBB0];
	_ =	sdelay $0x7  }
0x120: {  	[tilespmem:v2+s28+$0x0] =	vst.idx.add.f32.msk $0xffff, v1  }
0x121: {  	v2 =	vld [tilespmem:s11+$0xBC0];
	_ =	sdelay $0x7  }
0x122: {  	[tilespmem:v2+s28+$0x0] =	vst.idx.add.f32.msk $0xffff, v1  }
0x123: {  	v2 =	vld [tilespmem:s11+$0xBD0];
	_ =	sdelay $0x7  }
0x124: {  	[tilespmem:v2+s28+$0x0] =	vst.idx.add.f32.msk $0xffff, v1  }
0x125: {  	v2 =	vld [tilespmem:s11+$0xBE0];
	_ =	sdelay $0x7  }
0x126: {  	[tilespmem:v2+s28+$0x0] =	vst.idx.add.f32.msk $0xffff, v1  }
0x127: {  	v2 =	vld [tilespmem:s11+$0xBF0];
	_ =	sdelay $0x7  }
0x128: {  	s11 =	sor.u32 $0xB80, s11;
	[tilespmem:v2+s28+$0x0] =	vst.idx.add.f32.msk $0xffff, v1  }
0x129: {  	[spmem:s4] =	stream.indirect.scatter.add.f32 [tilespmem:s26], [sflag:$0x3], $0x80, s11, s25, $0xb8;
	[tilespmem:$0x1F980] =	vst v63  }
0x12a: {  	_ =	swait.ge [sflag:s22], $0x4000  }
0x12b: {  	[sflag:s22] =	ssyncset.done $0x0  }
0x12c: {  	s11 =	simm.s32 @!p1 $0x2;
	[sflag:s22] =	ssyncadd.s32 $0xFFFFC000  }
0x12d: {  	p2 =	sne.s32 s9, s2;
	_ =	swait.ge @!p1 [sflag:s11], $0x400  }
.Ltmp4:
0x12e: {  	[sflag:s11] =	ssyncset.done @!p1 $0x0;
	(pc) =	sbr.rel @p2 .LBB2_6-.Ltmp4, $4  }
0x12f: {  	[sflag:s11] =	ssyncadd.s32 @!p1 $0xFFFFFC00  }
0x130: {  	_ =	swait.ge @!p1 [sflag:s11], $0x400  }
0x131: {  	[sflag:s11] =	ssyncset.done @!p1 $0x0  }
0x132: {  	s20 =	sadd.s32 $0x400, s20;
	[sflag:s11] =	ssyncadd.s32 @!p1 $0xFFFFFC00  }
.Ltmp5:
0x133: {  	(pc) =	sbr.rel @p0 .LBB2_9-.Ltmp5, $2  }
0x134: {  	_ =	sdelay $0x2  }
0x135: {  	s2 =	simm.s32 $0x0  }
.LBB2_8:
0x136: {  	s11 =	sadd.s32 s2, s6  }
0x137: {  	[tilespmem:s29], [sflag:$0x3] =	stream.linear.gather [hbm4b:s11+s5], $0x80, $0x38;
	[tilespmem:$0x1F980] =	vst v63  }
0x138: {  	_ =	swait.ge [sflag:s22], $0x80  }
0x139: {  	[sflag:s22] =	ssyncset.done $0x0  }
0x13a: {  	s20 =	sadd.s32 s2, s7;
	[sflag:s22] =	ssyncadd.s32 $0xFFFFFF80  }
0x13b: {  	[tilespmem:s30], [sflag:$0x3] =	stream.linear.gather [hbm4b:s20+s5], $0x80, $0x38;
	[tilespmem:$0x1F980] =	vst v63  }
0x13c: {  	_ =	swait.ge [sflag:s22], $0x80  }
0x13d: {  	[sflag:s22] =	ssyncset.done $0x0  }
0x13e: {  	[sflag:s22] =	ssyncadd.s32 $0xFFFFFF80  }
0x13f: {  	[tilespmem:s21], [sflag:$0x1] =	stream.indirect.gather [hbm4b:s0+s25], $0x80, s29, s25, $0xb8;
	[tilespmem:$0x1F980] =	vst v63  }
0x140: {  	_ =	swait.ge [sflag:s8], $0x4000  }
0x141: {  	[sflag:s8] =	ssyncset.done $0x0  }
0x142: {  	[sflag:s8] =	ssyncadd.s32 $0xFFFFC000  }
0x143: {  	v2 =	vld [tilespmem:$0x1080];
	_ =	sdelay $0x7  }
0x144: {  	[tilespmem:v2+s28+$0x0] =	vst.idx.add.f32.msk $0xffff, v1  }
0x145: {  	v3 =	vld [tilespmem:$0x1090];
	_ =	sdelay $0x6  }
0x146: {  	[tilespmem:$0x1100] =	vst v2  }
0x147: {  	[tilespmem:v3+s28+$0x0] =	vst.idx.add.f32.msk $0xffff, v1  }
0x148: {  	v2 =	vld [tilespmem:$0x10A0];
	_ =	sdelay $0x6  }
0x149: {  	[tilespmem:$0x1110] =	vst v3  }
0x14a: {  	[tilespmem:v2+s28+$0x0] =	vst.idx.add.f32.msk $0xffff, v1  }
0x14b: {  	v3 =	vld [tilespmem:$0x10B0];
	_ =	sdelay $0x6  }
0x14c: {  	[tilespmem:$0x1120] =	vst v2  }
0x14d: {  	[tilespmem:v3+s28+$0x0] =	vst.idx.add.f32.msk $0xffff, v1  }
0x14e: {  	v2 =	vld [tilespmem:$0x10C0];
	_ =	sdelay $0x6  }
0x14f: {  	[tilespmem:$0x1130] =	vst v3  }
0x150: {  	[tilespmem:v2+s28+$0x0] =	vst.idx.add.f32.msk $0xffff, v1  }
0x151: {  	v3 =	vld [tilespmem:$0x10D0];
	_ =	sdelay $0x6  }
0x152: {  	[tilespmem:$0x1140] =	vst v2  }
0x153: {  	[tilespmem:v3+s28+$0x0] =	vst.idx.add.f32.msk $0xffff, v1  }
0x154: {  	v2 =	vld [tilespmem:$0x10E0];
	_ =	sdelay $0x6  }
0x155: {  	[tilespmem:$0x1150] =	vst v3  }
0x156: {  	[tilespmem:v2+s28+$0x0] =	vst.idx.add.f32.msk $0xffff, v1  }
0x157: {  	v3 =	vld [tilespmem:$0x10F0];
	_ =	sdelay $0x6  }
0x158: {  	[tilespmem:$0x1160] =	vst v2  }
0x159: {  	p1 =	sne.s32 s2, $0x30;
	[tilespmem:v3+s28+$0x0] =	vst.idx.add.f32.msk $0xffff, v1  }
.Ltmp6:
0x15a: {  	[tilespmem:$0x1170] =	vst v3;
	(pc) =	sbr.rel @p1 .LBB2_8-.Ltmp6, $4  }
0x15b: {  	[spmem:s4] =	stream.indirect.scatter.add.f32 [tilespmem:s21], [sflag:$0x3], $0x80, s31, s25, $0xb8;
	[tilespmem:$0x1F980] =	vst v63  }
0x15c: {  	_ =	swait.ge [sflag:s22], $0x4000  }
0x15d: {  	[sflag:s22] =	ssyncset.done $0x0  }
0x15e: {  	s2 =	sadd.s32 $0x10, s2;
	[sflag:s22] =	ssyncadd.s32 $0xFFFFC000  }
.Ltmp7:
0x15f: {  	_ = 	snop;
	(pc) =	sbr.rel .LBB2_9-.Ltmp7, $1  }
0x160: {  	_ =	sdelay $0x3  }
.LBB2_10:
0x161: {  	_ =	sfence.sel $0x180000  }
0x162: {  	[bflag:$0x0] =	sbarrier.arrive $0xFFFF  }
0x163: {  	_ =	strace $0x90000047  }
0x164: {  	s0 =	stileid.u32;
	[bflag:$0x2] =	sbarrier.arrive $0xFFFF  }
0x165: {  	p0 =	sne.s32 s0, $0x0;
	s0 =	rddreg [dreg:$0x4]  }
0x166: {  	s0 =	sadd.s32 @!p0 $0x100000, s0  }
0x167: {  	[sflag:s0] =	ssyncadd.tile.s32 @!p0 $0x1;
	_ =	shalt  }
.Lfunc_end2:
_tile_overlayer_lowered:
.L_overlay_start_2:
0x168: {  	(tag) =	ssettag $0x2  }
0x169: {  	s0 =	rddreg [dreg:$0x0];
	s2 =	stileid.u32  }
0x16a: {  	s1 =	rddreg [dreg:$0x1];
	p0 =	sne.s32 s2, $0x0  }
0x16b: {  	s3 =	rddreg [dreg:$0x2];
	[bflag:$0x3] =	sbarrier.arrive $0xFFFF;
	s2 =	simm.s32 @!p0 $0x1C03  }
0x16c: {  	[timem:s3], [sflag:s2] =	dma.local @!p0 [hbm:s0], s1  }
0x16d: {  	s0 =	simm.s32 @!p0 $0x3  }
0x16e: {  	_ =	swait.ge @!p0 [sflag:s0], s1  }
0x16f: {  	s1 =	ssub.s32 @!p0 $0x0, s1;
	[sflag:s0] =	ssyncset.done @!p0 $0x0  }
0x170: {  	[sflag:s0] =	ssyncadd.s32 @!p0 s1  }
0x171: {  	[bflag:$0x3] =	sbarrier.arrive $0xFFFF  }
0x172: {  	_ =	shalt  }

</sc_bundles>
